<compile_context>
chip_gen: v7x
topology: tpu7x:2x2x1
jax: 0.10.2.dev20260603
libtpu: 0.0.44.dev20260713+nightly
codegen_flags: <defaults>
</compile_context>

<pallas_src>
import functools

import jax
import jax.numpy as jnp
from jax import lax
from jax.experimental import pallas as pl
from jax.experimental.pallas import tpu as pltpu
from jax.experimental.pallas import tpu_sc as plsc

NUM_ENTITIES = 1000000
EMB_DIM = 32
BATCH = 16384

NUM_CORES = 2
NUM_SUBCORES = 16
LANES = 16
NUM_WORKERS = NUM_CORES * NUM_SUBCORES
B_PER_W = BATCH // NUM_WORKERS
CHUNK = 128
NUM_CHUNKS = B_PER_W // CHUNK
GROUPS = B_PER_W // LANES

_mesh = plsc.VectorSubcoreMesh(core_axis_name="c", subcore_axis_name="s")


@functools.partial(
    pl.kernel,
    mesh=_mesh,
    out_type=[
        jax.ShapeDtypeStruct((BATCH, EMB_DIM), jnp.float32),
        jax.ShapeDtypeStruct((BATCH,), jnp.float32),
    ],
    scratch_types=[
        pltpu.VMEM((NUM_CHUNKS, CHUNK), jnp.int32),
        pltpu.VMEM((B_PER_W, EMB_DIM), jnp.float32),
        pltpu.VMEM((B_PER_W,), jnp.float32),
        pltpu.SemaphoreType.DMA,
    ],
    compiler_params=pltpu.CompilerParams(
        needs_layout_passes=False, use_tc_tiling_on_sc=False
    ),
)
def _emb_kernel(ents_hbm, table_hbm, out_hbm, norm_hbm, idx_v, rows_v, norms_v, sem):
    wid = lax.axis_index("s") * NUM_CORES + lax.axis_index("c")
    base = wid * B_PER_W

    for i in range(NUM_CHUNKS):
        pltpu.sync_copy(ents_hbm.at[pl.ds(base + i * CHUNK, CHUNK)], idx_v.at[i])
    copies = []
    for i in range(NUM_CHUNKS):
        copies.append(
            pltpu.async_copy(
                table_hbm.at[idx_v.at[i]],
                rows_v.at[pl.ds(i * CHUNK, CHUNK)],
                sem,
            )
        )
    for cp in copies:
        cp.wait()

    def sqrt16(x):
        i = plsc.bitcast(x, jnp.int32)
        i = jnp.int32(0x5F3759DF) - (i >> 1)
        y = plsc.bitcast(i, jnp.float32)
        for _ in range(4):
            y = y * (1.5 - 0.5 * x * y * y)
        return jnp.where(x > 0.0, x * y, 0.0)

    lane_iota = jax.lax.iota(jnp.int32, LANES)

    def group_body(g, _):
        row_idx = g * LANES + lane_iota
        acc = jnp.zeros((LANES,), jnp.float32)
        for c in range(EMB_DIM):
            col_idx = jnp.full((LANES,), c, jnp.int32)
            v = plsc.load_gather(rows_v, [row_idx, col_idx])
            acc = acc + v * v
        norms_v[pl.ds(g * LANES, LANES)] = sqrt16(acc)
        return 0

    lax.fori_loop(0, GROUPS, group_body, 0)

    pltpu.sync_copy(rows_v, out_hbm.at[pl.ds(base, B_PER_W)])
    pltpu.sync_copy(norms_v, norm_hbm.at[pl.ds(base, B_PER_W)])


def kernel(ents, W_means):
    rows, norms = _emb_kernel(ents, W_means)
    return (rows, norms)

# --- scband reference (transcript-rebuilt; emitter-appended) ---
"""Pipeline reference for scband-variational-normal-embs-65051574665461 (READ-ONLY COPY).

The authoritative reference and input builder live on the scoring server;
editing this copy changes nothing except your own understanding.
"""

import jax, jax.numpy as jnp
import numpy as np

NUM_ENTITIES = 1000000
EMB_DIM = 32
BATCH = 16384

def setup_inputs(seed: int = 0) -> dict:
    key = jax.random.key(seed)
    k1, k2 = jax.random.split(key)
    ents = jax.random.randint(k1, (BATCH,), 0, NUM_ENTITIES, dtype=jnp.int64 if jax.config.jax_enable_x64 else jnp.int32).astype(jnp.int32)
    # weights_means ~ Normal(mean=0.0, std=1.0) per init_kwargs
    W_means = jax.random.normal(k2, (NUM_ENTITIES, EMB_DIM), dtype=jnp.float32)
    return {"ents": ents, "W_means": W_means}

def reference(ents, W_means):
    # default path: is_train=True, only_means=True
    ents_means = jnp.take(W_means, ents, axis=0)
    reg_loss = jnp.linalg.norm(ents_means, ord=2, axis=1)
    return (ents_means, reg_loss)

if __name__ == "__main__":
    import jax
    _d = setup_inputs()
    print(jax.jit(kernel)(*tuple(_d.values())))

</pallas_src>

<mosaic_0001>
#map = affine_map<(d0, d1) -> (0)>
#map1 = affine_map<(d0, d1) -> (0, 0)>
module attributes {stable_mosaic.version = 14 : i64} {
  func.func @_emb_kernel(%arg0: i32, %arg1: i32, %arg2: memref<16384xi32, #tpu.memory_space<hbm>>, %arg3: memref<1000000x32xf32, #tpu.memory_space<hbm>>, %arg4: memref<16384x32xf32, #tpu.memory_space<hbm>>, %arg5: memref<16384xf32, #tpu.memory_space<hbm>>, %arg6: memref<4x128xi32, #tpu.memory_space<vmem>>, %arg7: memref<512x32xf32, #tpu.memory_space<vmem>>, %arg8: memref<512xf32, #tpu.memory_space<vmem>>, %arg9: memref<!tpu.dma_semaphore, #tpu.memory_space<semaphore_mem>>) attributes {dimension_semantics = [#tpu.dimension_semantics<core_parallel>, #tpu.dimension_semantics<subcore_parallel>], iteration_bounds = array<i64: 2, 16>, scalar_prefetch = 0 : i64, scratch_operands = 4 : i64, tpu.core_type = #tpu.core_type<sc_vector_subcore>, window_params = [{transform_indices = #map}, {transform_indices = #map1}, {transform_indices = #map1}, {transform_indices = #map}]} {
    %mul3A = arith.constant 2 : i32
    %mul3A_0 = arith.muli %arg1, %mul3A : i32
    %add3A = arith.addi %mul3A_0, %arg0 : i32
    %mul3A_1 = arith.constant 512 : i32
    %mul3A_2 = arith.muli %add3A, %mul3A_1 : i32
    %add3A_3 = arith.constant 0 : i32
    %add3A_4 = arith.addi %mul3A_2, %add3A_3 : i32
    %run_scoped3A = arith.constant 0 : i32
    "tpu.region"() ({
      %run_scoped3A_98 = tpu.sem_alloc : memref<!tpu.dma_semaphore, #tpu.memory_space<semaphore_mem>>
      %dma_start3A_99 = arith.constant 0 : i32
      %dma_start3A_100 = tpu.memref_slice %arg6[%run_scoped3A, %dma_start3A_99] : memref<4x128xi32, #tpu.memory_space<vmem>> -> memref<1x128xi32, #tpu.memory_space<vmem>>
      %dma_start3A_101 = tpu.memref_squeeze %dma_start3A_100 : memref<1x128xi32, #tpu.memory_space<vmem>> -> memref<128xi32, #tpu.memory_space<vmem>>
      %dma_start3A_102 = tpu.memref_slice %arg2[%add3A_4] : memref<16384xi32, #tpu.memory_space<hbm>> -> memref<128xi32, #tpu.memory_space<hbm>>
      %dma_start3A_103 = arith.constant 0 : i32
      %dma_start3A_104 = tpu.memref_slice %arg6[%run_scoped3A, %dma_start3A_103] : memref<4x128xi32, #tpu.memory_space<vmem>> -> memref<1x128xi32, #tpu.memory_space<vmem>>
      %dma_start3A_105 = tpu.memref_squeeze %dma_start3A_104 : memref<1x128xi32, #tpu.memory_space<vmem>> -> memref<128xi32, #tpu.memory_space<vmem>>
      %dma_start3A_106 = tpu.memref_slice %arg2[%add3A_4] : memref<16384xi32, #tpu.memory_space<hbm>> -> memref<128xi32, #tpu.memory_space<hbm>>
      tpu.enqueue_dma source(%dma_start3A_106 : memref<128xi32, #tpu.memory_space<hbm>>) target(%dma_start3A_105 : memref<128xi32, #tpu.memory_space<vmem>>) target_semaphore(%run_scoped3A_98 : memref<!tpu.dma_semaphore, #tpu.memory_space<semaphore_mem>>)
      %dma_wait3A_107 = arith.constant 0 : i32
      %dma_wait3A_108 = tpu.memref_slice %arg6[%run_scoped3A, %dma_wait3A_107] : memref<4x128xi32, #tpu.memory_space<vmem>> -> memref<1x128xi32, #tpu.memory_space<vmem>>
      %dma_wait3A_109 = tpu.memref_squeeze %dma_wait3A_108 : memref<1x128xi32, #tpu.memory_space<vmem>> -> memref<128xi32, #tpu.memory_space<vmem>>
      %dma_wait3A_110 = tpu.memref_slice %arg2[%add3A_4] : memref<16384xi32, #tpu.memory_space<hbm>> -> memref<128xi32, #tpu.memory_space<hbm>>
      %dma_wait3A_111 = arith.constant 0 : i32
      %dma_wait3A_112 = tpu.memref_slice %arg6[%run_scoped3A, %dma_wait3A_111] : memref<4x128xi32, #tpu.memory_space<vmem>> -> memref<1x128xi32, #tpu.memory_space<vmem>>
      %dma_wait3A_113 = tpu.memref_squeeze %dma_wait3A_112 : memref<1x128xi32, #tpu.memory_space<vmem>> -> memref<128xi32, #tpu.memory_space<vmem>>
      %dma_wait3A_114 = tpu.memref_slice %arg2[%add3A_4] : memref<16384xi32, #tpu.memory_space<hbm>> -> memref<128xi32, #tpu.memory_space<hbm>>
      tpu.wait_dma2 semaphore(%run_scoped3A_98 : memref<!tpu.dma_semaphore, #tpu.memory_space<semaphore_mem>>) src(%dma_wait3A_114 : memref<128xi32, #tpu.memory_space<hbm>>) dst(%dma_wait3A_113 : memref<128xi32, #tpu.memory_space<vmem>>)
      tpu.yield
    }) : () -> ()
    %add3A_5 = arith.constant 128 : i32
    %add3A_6 = arith.addi %mul3A_2, %add3A_5 : i32
    %run_scoped3A_7 = arith.constant 1 : i32
    "tpu.region"() ({
      %run_scoped3A_98 = tpu.sem_alloc : memref<!tpu.dma_semaphore, #tpu.memory_space<semaphore_mem>>
      %dma_start3A_99 = arith.constant 0 : i32
      %dma_start3A_100 = tpu.memref_slice %arg6[%run_scoped3A_7, %dma_start3A_99] : memref<4x128xi32, #tpu.memory_space<vmem>> -> memref<1x128xi32, #tpu.memory_space<vmem>>
      %dma_start3A_101 = tpu.memref_squeeze %dma_start3A_100 : memref<1x128xi32, #tpu.memory_space<vmem>> -> memref<128xi32, #tpu.memory_space<vmem>>
      %dma_start3A_102 = tpu.memref_slice %arg2[%add3A_6] : memref<16384xi32, #tpu.memory_space<hbm>> -> memref<128xi32, #tpu.memory_space<hbm>>
      %dma_start3A_103 = arith.constant 0 : i32
      %dma_start3A_104 = tpu.memref_slice %arg6[%run_scoped3A_7, %dma_start3A_103] : memref<4x128xi32, #tpu.memory_space<vmem>> -> memref<1x128xi32, #tpu.memory_space<vmem>>
      %dma_start3A_105 = tpu.memref_squeeze %dma_start3A_104 : memref<1x128xi32, #tpu.memory_space<vmem>> -> memref<128xi32, #tpu.memory_space<vmem>>
      %dma_start3A_106 = tpu.memref_slice %arg2[%add3A_6] : memref<16384xi32, #tpu.memory_space<hbm>> -> memref<128xi32, #tpu.memory_space<hbm>>
      tpu.enqueue_dma source(%dma_start3A_106 : memref<128xi32, #tpu.memory_space<hbm>>) target(%dma_start3A_105 : memref<128xi32, #tpu.memory_space<vmem>>) target_semaphore(%run_scoped3A_98 : memref<!tpu.dma_semaphore, #tpu.memory_space<semaphore_mem>>)
      %dma_wait3A_107 = arith.constant 0 : i32
      %dma_wait3A_108 = tpu.memref_slice %arg6[%run_scoped3A_7, %dma_wait3A_107] : memref<4x128xi32, #tpu.memory_space<vmem>> -> memref<1x128xi32, #tpu.memory_space<vmem>>
      %dma_wait3A_109 = tpu.memref_squeeze %dma_wait3A_108 : memref<1x128xi32, #tpu.memory_space<vmem>> -> memref<128xi32, #tpu.memory_space<vmem>>
      %dma_wait3A_110 = tpu.memref_slice %arg2[%add3A_6] : memref<16384xi32, #tpu.memory_space<hbm>> -> memref<128xi32, #tpu.memory_space<hbm>>
      %dma_wait3A_111 = arith.constant 0 : i32
      %dma_wait3A_112 = tpu.memref_slice %arg6[%run_scoped3A_7, %dma_wait3A_111] : memref<4x128xi32, #tpu.memory_space<vmem>> -> memref<1x128xi32, #tpu.memory_space<vmem>>
      %dma_wait3A_113 = tpu.memref_squeeze %dma_wait3A_112 : memref<1x128xi32, #tpu.memory_space<vmem>> -> memref<128xi32, #tpu.memory_space<vmem>>
      %dma_wait3A_114 = tpu.memref_slice %arg2[%add3A_6] : memref<16384xi32, #tpu.memory_space<hbm>> -> memref<128xi32, #tpu.memory_space<hbm>>
      tpu.wait_dma2 semaphore(%run_scoped3A_98 : memref<!tpu.dma_semaphore, #tpu.memory_space<semaphore_mem>>) src(%dma_wait3A_114 : memref<128xi32, #tpu.memory_space<hbm>>) dst(%dma_wait3A_113 : memref<128xi32, #tpu.memory_space<vmem>>)
      tpu.yield
    }) : () -> ()
    %add3A_8 = arith.constant 256 : i32
    %add3A_9 = arith.addi %mul3A_2, %add3A_8 : i32
    %run_scoped3A_10 = arith.constant 2 : i32
    "tpu.region"() ({
      %run_scoped3A_98 = tpu.sem_alloc : memref<!tpu.dma_semaphore, #tpu.memory_space<semaphore_mem>>
      %dma_start3A_99 = arith.constant 0 : i32
      %dma_start3A_100 = tpu.memref_slice %arg6[%run_scoped3A_10, %dma_start3A_99] : memref<4x128xi32, #tpu.memory_space<vmem>> -> memref<1x128xi32, #tpu.memory_space<vmem>>
      %dma_start3A_101 = tpu.memref_squeeze %dma_start3A_100 : memref<1x128xi32, #tpu.memory_space<vmem>> -> memref<128xi32, #tpu.memory_space<vmem>>
      %dma_start3A_102 = tpu.memref_slice %arg2[%add3A_9] : memref<16384xi32, #tpu.memory_space<hbm>> -> memref<128xi32, #tpu.memory_space<hbm>>
      %dma_start3A_103 = arith.constant 0 : i32
      %dma_start3A_104 = tpu.memref_slice %arg6[%run_scoped3A_10, %dma_start3A_103] : memref<4x128xi32, #tpu.memory_space<vmem>> -> memref<1x128xi32, #tpu.memory_space<vmem>>
      %dma_start3A_105 = tpu.memref_squeeze %dma_start3A_104 : memref<1x128xi32, #tpu.memory_space<vmem>> -> memref<128xi32, #tpu.memory_space<vmem>>
      %dma_start3A_106 = tpu.memref_slice %arg2[%add3A_9] : memref<16384xi32, #tpu.memory_space<hbm>> -> memref<128xi32, #tpu.memory_space<hbm>>
      tpu.enqueue_dma source(%dma_start3A_106 : memref<128xi32, #tpu.memory_space<hbm>>) target(%dma_start3A_105 : memref<128xi32, #tpu.memory_space<vmem>>) target_semaphore(%run_scoped3A_98 : memref<!tpu.dma_semaphore, #tpu.memory_space<semaphore_mem>>)
      %dma_wait3A_107 = arith.constant 0 : i32
      %dma_wait3A_108 = tpu.memref_slice %arg6[%run_scoped3A_10, %dma_wait3A_107] : memref<4x128xi32, #tpu.memory_space<vmem>> -> memref<1x128xi32, #tpu.memory_space<vmem>>
      %dma_wait3A_109 = tpu.memref_squeeze %dma_wait3A_108 : memref<1x128xi32, #tpu.memory_space<vmem>> -> memref<128xi32, #tpu.memory_space<vmem>>
      %dma_wait3A_110 = tpu.memref_slice %arg2[%add3A_9] : memref<16384xi32, #tpu.memory_space<hbm>> -> memref<128xi32, #tpu.memory_space<hbm>>
      %dma_wait3A_111 = arith.constant 0 : i32
      %dma_wait3A_112 = tpu.memref_slice %arg6[%run_scoped3A_10, %dma_wait3A_111] : memref<4x128xi32, #tpu.memory_space<vmem>> -> memref<1x128xi32, #tpu.memory_space<vmem>>
      %dma_wait3A_113 = tpu.memref_squeeze %dma_wait3A_112 : memref<1x128xi32, #tpu.memory_space<vmem>> -> memref<128xi32, #tpu.memory_space<vmem>>
      %dma_wait3A_114 = tpu.memref_slice %arg2[%add3A_9] : memref<16384xi32, #tpu.memory_space<hbm>> -> memref<128xi32, #tpu.memory_space<hbm>>
      tpu.wait_dma2 semaphore(%run_scoped3A_98 : memref<!tpu.dma_semaphore, #tpu.memory_space<semaphore_mem>>) src(%dma_wait3A_114 : memref<128xi32, #tpu.memory_space<hbm>>) dst(%dma_wait3A_113 : memref<128xi32, #tpu.memory_space<vmem>>)
      tpu.yield
    }) : () -> ()
    %add3A_11 = arith.constant 384 : i32
    %add3A_12 = arith.addi %mul3A_2, %add3A_11 : i32
    %run_scoped3A_13 = arith.constant 3 : i32
    "tpu.region"() ({
      %run_scoped3A_98 = tpu.sem_alloc : memref<!tpu.dma_semaphore, #tpu.memory_space<semaphore_mem>>
      %dma_start3A_99 = arith.constant 0 : i32
      %dma_start3A_100 = tpu.memref_slice %arg6[%run_scoped3A_13, %dma_start3A_99] : memref<4x128xi32, #tpu.memory_space<vmem>> -> memref<1x128xi32, #tpu.memory_space<vmem>>
      %dma_start3A_101 = tpu.memref_squeeze %dma_start3A_100 : memref<1x128xi32, #tpu.memory_space<vmem>> -> memref<128xi32, #tpu.memory_space<vmem>>
      %dma_start3A_102 = tpu.memref_slice %arg2[%add3A_12] : memref<16384xi32, #tpu.memory_space<hbm>> -> memref<128xi32, #tpu.memory_space<hbm>>
      %dma_start3A_103 = arith.constant 0 : i32
      %dma_start3A_104 = tpu.memref_slice %arg6[%run_scoped3A_13, %dma_start3A_103] : memref<4x128xi32, #tpu.memory_space<vmem>> -> memref<1x128xi32, #tpu.memory_space<vmem>>
      %dma_start3A_105 = tpu.memref_squeeze %dma_start3A_104 : memref<1x128xi32, #tpu.memory_space<vmem>> -> memref<128xi32, #tpu.memory_space<vmem>>
      %dma_start3A_106 = tpu.memref_slice %arg2[%add3A_12] : memref<16384xi32, #tpu.memory_space<hbm>> -> memref<128xi32, #tpu.memory_space<hbm>>
      tpu.enqueue_dma source(%dma_start3A_106 : memref<128xi32, #tpu.memory_space<hbm>>) target(%dma_start3A_105 : memref<128xi32, #tpu.memory_space<vmem>>) target_semaphore(%run_scoped3A_98 : memref<!tpu.dma_semaphore, #tpu.memory_space<semaphore_mem>>)
      %dma_wait3A_107 = arith.constant 0 : i32
      %dma_wait3A_108 = tpu.memref_slice %arg6[%run_scoped3A_13, %dma_wait3A_107] : memref<4x128xi32, #tpu.memory_space<vmem>> -> memref<1x128xi32, #tpu.memory_space<vmem>>
      %dma_wait3A_109 = tpu.memref_squeeze %dma_wait3A_108 : memref<1x128xi32, #tpu.memory_space<vmem>> -> memref<128xi32, #tpu.memory_space<vmem>>
      %dma_wait3A_110 = tpu.memref_slice %arg2[%add3A_12] : memref<16384xi32, #tpu.memory_space<hbm>> -> memref<128xi32, #tpu.memory_space<hbm>>
      %dma_wait3A_111 = arith.constant 0 : i32
      %dma_wait3A_112 = tpu.memref_slice %arg6[%run_scoped3A_13, %dma_wait3A_111] : memref<4x128xi32, #tpu.memory_space<vmem>> -> memref<1x128xi32, #tpu.memory_space<vmem>>
      %dma_wait3A_113 = tpu.memref_squeeze %dma_wait3A_112 : memref<1x128xi32, #tpu.memory_space<vmem>> -> memref<128xi32, #tpu.memory_space<vmem>>
      %dma_wait3A_114 = tpu.memref_slice %arg2[%add3A_12] : memref<16384xi32, #tpu.memory_space<hbm>> -> memref<128xi32, #tpu.memory_space<hbm>>
      tpu.wait_dma2 semaphore(%run_scoped3A_98 : memref<!tpu.dma_semaphore, #tpu.memory_space<semaphore_mem>>) src(%dma_wait3A_114 : memref<128xi32, #tpu.memory_space<hbm>>) dst(%dma_wait3A_113 : memref<128xi32, #tpu.memory_space<vmem>>)
      tpu.yield
    }) : () -> ()
    %dma_start3A = arith.constant 0 : i32
    %dma_start3A_14 = arith.constant 0 : i32
    %dma_start3A_15 = arith.constant 0 : i32
    %dma_start3A_16 = tpu.memref_slice %arg7[%dma_start3A_14, %dma_start3A_15] : memref<512x32xf32, #tpu.memory_space<vmem>> -> memref<128x32xf32, #tpu.memory_space<vmem>>
    %dma_start3A_17 = arith.constant 0 : i32
    %dma_start3A_18 = tpu.memref_slice %arg6[%dma_start3A, %dma_start3A_17] : memref<4x128xi32, #tpu.memory_space<vmem>> -> memref<1x128xi32, #tpu.memory_space<vmem>>
    %dma_start3A_19 = tpu.memref_squeeze %dma_start3A_18 : memref<1x128xi32, #tpu.memory_space<vmem>> -> memref<128xi32, #tpu.memory_space<vmem>>
    %dma_start3A_20 = arith.constant 0 : i32
    %dma_start3A_21 = arith.constant 0 : i32
    %dma_start3A_22 = tpu.memref_slice %arg3[%dma_start3A_20, %dma_start3A_21] : memref<1000000x32xf32, #tpu.memory_space<hbm>> -> memref<1000000x32xf32, #tpu.memory_space<hbm>>
    tpu.enqueue_indirect_dma source(%dma_start3A_22 : memref<1000000x32xf32, #tpu.memory_space<hbm>>) target(%dma_start3A_16 : memref<128x32xf32, #tpu.memory_space<vmem>>) offsets(%dma_start3A_19 : memref<128xi32, #tpu.memory_space<vmem>>) semaphore(%arg9 : memref<!tpu.dma_semaphore, #tpu.memory_space<semaphore_mem>>)
    %dma_start3A_23 = arith.constant 1 : i32
    %dma_start3A_24 = arith.constant 128 : i32
    %dma_start3A_25 = arith.constant 0 : i32
    %dma_start3A_26 = tpu.memref_slice %arg7[%dma_start3A_24, %dma_start3A_25] : memref<512x32xf32, #tpu.memory_space<vmem>> -> memref<128x32xf32, #tpu.memory_space<vmem>>
    %dma_start3A_27 = arith.constant 0 : i32
    %dma_start3A_28 = tpu.memref_slice %arg6[%dma_start3A_23, %dma_start3A_27] : memref<4x128xi32, #tpu.memory_space<vmem>> -> memref<1x128xi32, #tpu.memory_space<vmem>>
    %dma_start3A_29 = tpu.memref_squeeze %dma_start3A_28 : memref<1x128xi32, #tpu.memory_space<vmem>> -> memref<128xi32, #tpu.memory_space<vmem>>
    %dma_start3A_30 = arith.constant 0 : i32
    %dma_start3A_31 = arith.constant 0 : i32
    %dma_start3A_32 = tpu.memref_slice %arg3[%dma_start3A_30, %dma_start3A_31] : memref<1000000x32xf32, #tpu.memory_space<hbm>> -> memref<1000000x32xf32, #tpu.memory_space<hbm>>
    tpu.enqueue_indirect_dma source(%dma_start3A_32 : memref<1000000x32xf32, #tpu.memory_space<hbm>>) target(%dma_start3A_26 : memref<128x32xf32, #tpu.memory_space<vmem>>) offsets(%dma_start3A_29 : memref<128xi32, #tpu.memory_space<vmem>>) semaphore(%arg9 : memref<!tpu.dma_semaphore, #tpu.memory_space<semaphore_mem>>)
    %dma_start3A_33 = arith.constant 2 : i32
    %dma_start3A_34 = arith.constant 256 : i32
    %dma_start3A_35 = arith.constant 0 : i32
    %dma_start3A_36 = tpu.memref_slice %arg7[%dma_start3A_34, %dma_start3A_35] : memref<512x32xf32, #tpu.memory_space<vmem>> -> memref<128x32xf32, #tpu.memory_space<vmem>>
    %dma_start3A_37 = arith.constant 0 : i32
    %dma_start3A_38 = tpu.memref_slice %arg6[%dma_start3A_33, %dma_start3A_37] : memref<4x128xi32, #tpu.memory_space<vmem>> -> memref<1x128xi32, #tpu.memory_space<vmem>>
    %dma_start3A_39 = tpu.memref_squeeze %dma_start3A_38 : memref<1x128xi32, #tpu.memory_space<vmem>> -> memref<128xi32, #tpu.memory_space<vmem>>
    %dma_start3A_40 = arith.constant 0 : i32
    %dma_start3A_41 = arith.constant 0 : i32
    %dma_start3A_42 = tpu.memref_slice %arg3[%dma_start3A_40, %dma_start3A_41] : memref<1000000x32xf32, #tpu.memory_space<hbm>> -> memref<1000000x32xf32, #tpu.memory_space<hbm>>
    tpu.enqueue_indirect_dma source(%dma_start3A_42 : memref<1000000x32xf32, #tpu.memory_space<hbm>>) target(%dma_start3A_36 : memref<128x32xf32, #tpu.memory_space<vmem>>) offsets(%dma_start3A_39 : memref<128xi32, #tpu.memory_space<vmem>>) semaphore(%arg9 : memref<!tpu.dma_semaphore, #tpu.memory_space<semaphore_mem>>)
    %dma_start3A_43 = arith.constant 3 : i32
    %dma_start3A_44 = arith.constant 384 : i32
    %dma_start3A_45 = arith.constant 0 : i32
    %dma_start3A_46 = tpu.memref_slice %arg7[%dma_start3A_44, %dma_start3A_45] : memref<512x32xf32, #tpu.memory_space<vmem>> -> memref<128x32xf32, #tpu.memory_space<vmem>>
    %dma_start3A_47 = arith.constant 0 : i32
    %dma_start3A_48 = tpu.memref_slice %arg6[%dma_start3A_43, %dma_start3A_47] : memref<4x128xi32, #tpu.memory_space<vmem>> -> memref<1x128xi32, #tpu.memory_space<vmem>>
    %dma_start3A_49 = tpu.memref_squeeze %dma_start3A_48 : memref<1x128xi32, #tpu.memory_space<vmem>> -> memref<128xi32, #tpu.memory_space<vmem>>
    %dma_start3A_50 = arith.constant 0 : i32
    %dma_start3A_51 = arith.constant 0 : i32
    %dma_start3A_52 = tpu.memref_slice %arg3[%dma_start3A_50, %dma_start3A_51] : memref<1000000x32xf32, #tpu.memory_space<hbm>> -> memref<1000000x32xf32, #tpu.memory_space<hbm>>
    tpu.enqueue_indirect_dma source(%dma_start3A_52 : memref<1000000x32xf32, #tpu.memory_space<hbm>>) target(%dma_start3A_46 : memref<128x32xf32, #tpu.memory_space<vmem>>) offsets(%dma_start3A_49 : memref<128xi32, #tpu.memory_space<vmem>>) semaphore(%arg9 : memref<!tpu.dma_semaphore, #tpu.memory_space<semaphore_mem>>)
    %dma_wait3A = arith.constant 0 : i32
    %dma_wait3A_53 = arith.constant 0 : i32
    %dma_wait3A_54 = arith.constant 0 : i32
    %dma_wait3A_55 = tpu.memref_slice %arg7[%dma_wait3A_53, %dma_wait3A_54] : memref<512x32xf32, #tpu.memory_space<vmem>> -> memref<128x32xf32, #tpu.memory_space<vmem>>
    %dma_wait3A_56 = arith.constant 0 : i32
    %dma_wait3A_57 = tpu.memref_slice %arg6[%dma_wait3A, %dma_wait3A_56] : memref<4x128xi32, #tpu.memory_space<vmem>> -> memref<1x128xi32, #tpu.memory_space<vmem>>
    %dma_wait3A_58 = tpu.memref_squeeze %dma_wait3A_57 : memref<1x128xi32, #tpu.memory_space<vmem>> -> memref<128xi32, #tpu.memory_space<vmem>>
    %dma_wait3A_59 = arith.constant 0 : i32
    %dma_wait3A_60 = arith.constant 0 : i32
    %dma_wait3A_61 = tpu.memref_slice %arg3[%dma_wait3A_59, %dma_wait3A_60] : memref<1000000x32xf32, #tpu.memory_space<hbm>> -> memref<1000000x32xf32, #tpu.memory_space<hbm>>
    tpu.wait_indirect_dma semaphore(%arg9 : memref<!tpu.dma_semaphore, #tpu.memory_space<semaphore_mem>>) src(%dma_wait3A_61 : memref<1000000x32xf32, #tpu.memory_space<hbm>>) dst(%dma_wait3A_55 : memref<128x32xf32, #tpu.memory_space<vmem>>)
    %dma_wait3A_62 = arith.constant 1 : i32
    %dma_wait3A_63 = arith.constant 128 : i32
    %dma_wait3A_64 = arith.constant 0 : i32
    %dma_wait3A_65 = tpu.memref_slice %arg7[%dma_wait3A_63, %dma_wait3A_64] : memref<512x32xf32, #tpu.memory_space<vmem>> -> memref<128x32xf32, #tpu.memory_space<vmem>>
    %dma_wait3A_66 = arith.constant 0 : i32
    %dma_wait3A_67 = tpu.memref_slice %arg6[%dma_wait3A_62, %dma_wait3A_66] : memref<4x128xi32, #tpu.memory_space<vmem>> -> memref<1x128xi32, #tpu.memory_space<vmem>>
    %dma_wait3A_68 = tpu.memref_squeeze %dma_wait3A_67 : memref<1x128xi32, #tpu.memory_space<vmem>> -> memref<128xi32, #tpu.memory_space<vmem>>
    %dma_wait3A_69 = arith.constant 0 : i32
    %dma_wait3A_70 = arith.constant 0 : i32
    %dma_wait3A_71 = tpu.memref_slice %arg3[%dma_wait3A_69, %dma_wait3A_70] : memref<1000000x32xf32, #tpu.memory_space<hbm>> -> memref<1000000x32xf32, #tpu.memory_space<hbm>>
    tpu.wait_indirect_dma semaphore(%arg9 : memref<!tpu.dma_semaphore, #tpu.memory_space<semaphore_mem>>) src(%dma_wait3A_71 : memref<1000000x32xf32, #tpu.memory_space<hbm>>) dst(%dma_wait3A_65 : memref<128x32xf32, #tpu.memory_space<vmem>>)
    %dma_wait3A_72 = arith.constant 2 : i32
    %dma_wait3A_73 = arith.constant 256 : i32
    %dma_wait3A_74 = arith.constant 0 : i32
    %dma_wait3A_75 = tpu.memref_slice %arg7[%dma_wait3A_73, %dma_wait3A_74] : memref<512x32xf32, #tpu.memory_space<vmem>> -> memref<128x32xf32, #tpu.memory_space<vmem>>
    %dma_wait3A_76 = arith.constant 0 : i32
    %dma_wait3A_77 = tpu.memref_slice %arg6[%dma_wait3A_72, %dma_wait3A_76] : memref<4x128xi32, #tpu.memory_space<vmem>> -> memref<1x128xi32, #tpu.memory_space<vmem>>
    %dma_wait3A_78 = tpu.memref_squeeze %dma_wait3A_77 : memref<1x128xi32, #tpu.memory_space<vmem>> -> memref<128xi32, #tpu.memory_space<vmem>>
    %dma_wait3A_79 = arith.constant 0 : i32
    %dma_wait3A_80 = arith.constant 0 : i32
    %dma_wait3A_81 = tpu.memref_slice %arg3[%dma_wait3A_79, %dma_wait3A_80] : memref<1000000x32xf32, #tpu.memory_space<hbm>> -> memref<1000000x32xf32, #tpu.memory_space<hbm>>
    tpu.wait_indirect_dma semaphore(%arg9 : memref<!tpu.dma_semaphore, #tpu.memory_space<semaphore_mem>>) src(%dma_wait3A_81 : memref<1000000x32xf32, #tpu.memory_space<hbm>>) dst(%dma_wait3A_75 : memref<128x32xf32, #tpu.memory_space<vmem>>)
    %dma_wait3A_82 = arith.constant 3 : i32
    %dma_wait3A_83 = arith.constant 384 : i32
    %dma_wait3A_84 = arith.constant 0 : i32
    %dma_wait3A_85 = tpu.memref_slice %arg7[%dma_wait3A_83, %dma_wait3A_84] : memref<512x32xf32, #tpu.memory_space<vmem>> -> memref<128x32xf32, #tpu.memory_space<vmem>>
    %dma_wait3A_86 = arith.constant 0 : i32
    %dma_wait3A_87 = tpu.memref_slice %arg6[%dma_wait3A_82, %dma_wait3A_86] : memref<4x128xi32, #tpu.memory_space<vmem>> -> memref<1x128xi32, #tpu.memory_space<vmem>>
    %dma_wait3A_88 = tpu.memref_squeeze %dma_wait3A_87 : memref<1x128xi32, #tpu.memory_space<vmem>> -> memref<128xi32, #tpu.memory_space<vmem>>
    %dma_wait3A_89 = arith.constant 0 : i32
    %dma_wait3A_90 = arith.constant 0 : i32
    %dma_wait3A_91 = tpu.memref_slice %arg3[%dma_wait3A_89, %dma_wait3A_90] : memref<1000000x32xf32, #tpu.memory_space<hbm>> -> memref<1000000x32xf32, #tpu.memory_space<hbm>>
    tpu.wait_indirect_dma semaphore(%arg9 : memref<!tpu.dma_semaphore, #tpu.memory_space<semaphore_mem>>) src(%dma_wait3A_91 : memref<1000000x32xf32, #tpu.memory_space<hbm>>) dst(%dma_wait3A_85 : memref<128x32xf32, #tpu.memory_space<vmem>>)
    %iota3A = tpu.iota {dimensions = array<i32: 0>} : vector<16xi32>
    %scan3A = arith.constant 0 : i32
    %scan3A_92 = arith.constant 0 : i32
    %scan3A_93 = arith.constant 32 : i32
    %scan3A_94 = arith.addi %scan3A_92, %scan3A_93 : i32
    %scan3A_95 = arith.constant 1 : i32
    %scan3A_96 = scf.for %scan3A_98 = %scan3A_92 to %scan3A_94 step %scan3A_95 iter_args(%scan3A_99 = %scan3A) -> (i32)  : i32 {
      %mul3A_100 = arith.constant 16 : i32
      %mul3A_101 = arith.muli %scan3A_98, %mul3A_100 : i32
      %add3A_102 = vector.broadcast %mul3A_101 : i32 to vector<16xi32>
      %add3A_103 = arith.addi %add3A_102, %iota3A : vector<16xi32>
      %broadcast_in_dim3A = arith.constant 0.000000e+00 : f32
      %broadcast_in_dim3A_104 = vector.broadcast %broadcast_in_dim3A : f32 to vector<16xf32>
      %broadcast_in_dim3A_105 = arith.constant 0 : i32
      %broadcast_in_dim3A_106 = vector.broadcast %broadcast_in_dim3A_105 : i32 to vector<16xi32>
      %gather3A = tpu.vector_load_idx %arg7[%add3A_103, %broadcast_in_dim3A_106] : memref<512x32xf32, #tpu.memory_space<vmem>>[vector<16xi32>, vector<16xi32>], vector<16xf32>,
      %mul3A_107 = arith.mulf %gather3A, %gather3A : vector<16xf32>
      %add3A_108 = arith.addf %broadcast_in_dim3A_104, %mul3A_107 : vector<16xf32>
      %broadcast_in_dim3A_109 = arith.constant 1 : i32
      %broadcast_in_dim3A_110 = vector.broadcast %broadcast_in_dim3A_109 : i32 to vector<16xi32>
      %gather3A_111 = tpu.vector_load_idx %arg7[%add3A_103, %broadcast_in_dim3A_110] : memref<512x32xf32, #tpu.memory_space<vmem>>[vector<16xi32>, vector<16xi32>], vector<16xf32>,
      %mul3A_112 = arith.mulf %gather3A_111, %gather3A_111 : vector<16xf32>
      %add3A_113 = arith.addf %add3A_108, %mul3A_112 : vector<16xf32>
      %broadcast_in_dim3A_114 = arith.constant 2 : i32
      %broadcast_in_dim3A_115 = vector.broadcast %broadcast_in_dim3A_114 : i32 to vector<16xi32>
      %gather3A_116 = tpu.vector_load_idx %arg7[%add3A_103, %broadcast_in_dim3A_115] : memref<512x32xf32, #tpu.memory_space<vmem>>[vector<16xi32>, vector<16xi32>], vector<16xf32>,
      %mul3A_117 = arith.mulf %gather3A_116, %gather3A_116 : vector<16xf32>
      %add3A_118 = arith.addf %add3A_113, %mul3A_117 : vector<16xf32>
      %broadcast_in_dim3A_119 = arith.constant 3 : i32
      %broadcast_in_dim3A_120 = vector.broadcast %broadcast_in_dim3A_119 : i32 to vector<16xi32>
      %gather3A_121 = tpu.vector_load_idx %arg7[%add3A_103, %broadcast_in_dim3A_120] : memref<512x32xf32, #tpu.memory_space<vmem>>[vector<16xi32>, vector<16xi32>], vector<16xf32>,
      %mul3A_122 = arith.mulf %gather3A_121, %gather3A_121 : vector<16xf32>
      %add3A_123 = arith.addf %add3A_118, %mul3A_122 : vector<16xf32>
      %broadcast_in_dim3A_124 = arith.constant 4 : i32
      %broadcast_in_dim3A_125 = vector.broadcast %broadcast_in_dim3A_124 : i32 to vector<16xi32>
      %gather3A_126 = tpu.vector_load_idx %arg7[%add3A_103, %broadcast_in_dim3A_125] : memref<512x32xf32, #tpu.memory_space<vmem>>[vector<16xi32>, vector<16xi32>], vector<16xf32>,
      %mul3A_127 = arith.mulf %gather3A_126, %gather3A_126 : vector<16xf32>
      %add3A_128 = arith.addf %add3A_123, %mul3A_127 : vector<16xf32>
      %broadcast_in_dim3A_129 = arith.constant 5 : i32
      %broadcast_in_dim3A_130 = vector.broadcast %broadcast_in_dim3A_129 : i32 to vector<16xi32>
      %gather3A_131 = tpu.vector_load_idx %arg7[%add3A_103, %broadcast_in_dim3A_130] : memref<512x32xf32, #tpu.memory_space<vmem>>[vector<16xi32>, vector<16xi32>], vector<16xf32>,
      %mul3A_132 = arith.mulf %gather3A_131, %gather3A_131 : vector<16xf32>
      %add3A_133 = arith.addf %add3A_128, %mul3A_132 : vector<16xf32>
      %broadcast_in_dim3A_134 = arith.constant 6 : i32
      %broadcast_in_dim3A_135 = vector.broadcast %broadcast_in_dim3A_134 : i32 to vector<16xi32>
      %gather3A_136 = tpu.vector_load_idx %arg7[%add3A_103, %broadcast_in_dim3A_135] : memref<512x32xf32, #tpu.memory_space<vmem>>[vector<16xi32>, vector<16xi32>], vector<16xf32>,
      %mul3A_137 = arith.mulf %gather3A_136, %gather3A_136 : vector<16xf32>
      %add3A_138 = arith.addf %add3A_133, %mul3A_137 : vector<16xf32>
      %broadcast_in_dim3A_139 = arith.constant 7 : i32
      %broadcast_in_dim3A_140 = vector.broadcast %broadcast_in_dim3A_139 : i32 to vector<16xi32>
      %gather3A_141 = tpu.vector_load_idx %arg7[%add3A_103, %broadcast_in_dim3A_140] : memref<512x32xf32, #tpu.memory_space<vmem>>[vector<16xi32>, vector<16xi32>], vector<16xf32>,
      %mul3A_142 = arith.mulf %gather3A_141, %gather3A_141 : vector<16xf32>
      %add3A_143 = arith.addf %add3A_138, %mul3A_142 : vector<16xf32>
      %broadcast_in_dim3A_144 = arith.constant 8 : i32
      %broadcast_in_dim3A_145 = vector.broadcast %broadcast_in_dim3A_144 : i32 to vector<16xi32>
      %gather3A_146 = tpu.vector_load_idx %arg7[%add3A_103, %broadcast_in_dim3A_145] : memref<512x32xf32, #tpu.memory_space<vmem>>[vector<16xi32>, vector<16xi32>], vector<16xf32>,
      %mul3A_147 = arith.mulf %gather3A_146, %gather3A_146 : vector<16xf32>
      %add3A_148 = arith.addf %add3A_143, %mul3A_147 : vector<16xf32>
      %broadcast_in_dim3A_149 = arith.constant 9 : i32
      %broadcast_in_dim3A_150 = vector.broadcast %broadcast_in_dim3A_149 : i32 to vector<16xi32>
      %gather3A_151 = tpu.vector_load_idx %arg7[%add3A_103, %broadcast_in_dim3A_150] : memref<512x32xf32, #tpu.memory_space<vmem>>[vector<16xi32>, vector<16xi32>], vector<16xf32>,
      %mul3A_152 = arith.mulf %gather3A_151, %gather3A_151 : vector<16xf32>
      %add3A_153 = arith.addf %add3A_148, %mul3A_152 : vector<16xf32>
      %broadcast_in_dim3A_154 = arith.constant 10 : i32
      %broadcast_in_dim3A_155 = vector.broadcast %broadcast_in_dim3A_154 : i32 to vector<16xi32>
      %gather3A_156 = tpu.vector_load_idx %arg7[%add3A_103, %broadcast_in_dim3A_155] : memref<512x32xf32, #tpu.memory_space<vmem>>[vector<16xi32>, vector<16xi32>], vector<16xf32>,
      %mul3A_157 = arith.mulf %gather3A_156, %gather3A_156 : vector<16xf32>
      %add3A_158 = arith.addf %add3A_153, %mul3A_157 : vector<16xf32>
      %broadcast_in_dim3A_159 = arith.constant 11 : i32
      %broadcast_in_dim3A_160 = vector.broadcast %broadcast_in_dim3A_159 : i32 to vector<16xi32>
      %gather3A_161 = tpu.vector_load_idx %arg7[%add3A_103, %broadcast_in_dim3A_160] : memref<512x32xf32, #tpu.memory_space<vmem>>[vector<16xi32>, vector<16xi32>], vector<16xf32>,
      %mul3A_162 = arith.mulf %gather3A_161, %gather3A_161 : vector<16xf32>
      %add3A_163 = arith.addf %add3A_158, %mul3A_162 : vector<16xf32>
      %broadcast_in_dim3A_164 = arith.constant 12 : i32
      %broadcast_in_dim3A_165 = vector.broadcast %broadcast_in_dim3A_164 : i32 to vector<16xi32>
      %gather3A_166 = tpu.vector_load_idx %arg7[%add3A_103, %broadcast_in_dim3A_165] : memref<512x32xf32, #tpu.memory_space<vmem>>[vector<16xi32>, vector<16xi32>], vector<16xf32>,
      %mul3A_167 = arith.mulf %gather3A_166, %gather3A_166 : vector<16xf32>
      %add3A_168 = arith.addf %add3A_163, %mul3A_167 : vector<16xf32>
      %broadcast_in_dim3A_169 = arith.constant 13 : i32
      %broadcast_in_dim3A_170 = vector.broadcast %broadcast_in_dim3A_169 : i32 to vector<16xi32>
      %gather3A_171 = tpu.vector_load_idx %arg7[%add3A_103, %broadcast_in_dim3A_170] : memref<512x32xf32, #tpu.memory_space<vmem>>[vector<16xi32>, vector<16xi32>], vector<16xf32>,
      %mul3A_172 = arith.mulf %gather3A_171, %gather3A_171 : vector<16xf32>
      %add3A_173 = arith.addf %add3A_168, %mul3A_172 : vector<16xf32>
      %broadcast_in_dim3A_174 = arith.constant 14 : i32
      %broadcast_in_dim3A_175 = vector.broadcast %broadcast_in_dim3A_174 : i32 to vector<16xi32>
      %gather3A_176 = tpu.vector_load_idx %arg7[%add3A_103, %broadcast_in_dim3A_175] : memref<512x32xf32, #tpu.memory_space<vmem>>[vector<16xi32>, vector<16xi32>], vector<16xf32>,
      %mul3A_177 = arith.mulf %gather3A_176, %gather3A_176 : vector<16xf32>
      %add3A_178 = arith.addf %add3A_173, %mul3A_177 : vector<16xf32>
      %broadcast_in_dim3A_179 = arith.constant 15 : i32
      %broadcast_in_dim3A_180 = vector.broadcast %broadcast_in_dim3A_179 : i32 to vector<16xi32>
      %gather3A_181 = tpu.vector_load_idx %arg7[%add3A_103, %broadcast_in_dim3A_180] : memref<512x32xf32, #tpu.memory_space<vmem>>[vector<16xi32>, vector<16xi32>], vector<16xf32>,
      %mul3A_182 = arith.mulf %gather3A_181, %gather3A_181 : vector<16xf32>
      %add3A_183 = arith.addf %add3A_178, %mul3A_182 : vector<16xf32>
      %broadcast_in_dim3A_184 = arith.constant 16 : i32
      %broadcast_in_dim3A_185 = vector.broadcast %broadcast_in_dim3A_184 : i32 to vector<16xi32>
      %gather3A_186 = tpu.vector_load_idx %arg7[%add3A_103, %broadcast_in_dim3A_185] : memref<512x32xf32, #tpu.memory_space<vmem>>[vector<16xi32>, vector<16xi32>], vector<16xf32>,
      %mul3A_187 = arith.mulf %gather3A_186, %gather3A_186 : vector<16xf32>
      %add3A_188 = arith.addf %add3A_183, %mul3A_187 : vector<16xf32>
      %broadcast_in_dim3A_189 = arith.constant 17 : i32
      %broadcast_in_dim3A_190 = vector.broadcast %broadcast_in_dim3A_189 : i32 to vector<16xi32>
      %gather3A_191 = tpu.vector_load_idx %arg7[%add3A_103, %broadcast_in_dim3A_190] : memref<512x32xf32, #tpu.memory_space<vmem>>[vector<16xi32>, vector<16xi32>], vector<16xf32>,
      %mul3A_192 = arith.mulf %gather3A_191, %gather3A_191 : vector<16xf32>
      %add3A_193 = arith.addf %add3A_188, %mul3A_192 : vector<16xf32>
      %broadcast_in_dim3A_194 = arith.constant 18 : i32
      %broadcast_in_dim3A_195 = vector.broadcast %broadcast_in_dim3A_194 : i32 to vector<16xi32>
      %gather3A_196 = tpu.vector_load_idx %arg7[%add3A_103, %broadcast_in_dim3A_195] : memref<512x32xf32, #tpu.memory_space<vmem>>[vector<16xi32>, vector<16xi32>], vector<16xf32>,
      %mul3A_197 = arith.mulf %gather3A_196, %gather3A_196 : vector<16xf32>
      %add3A_198 = arith.addf %add3A_193, %mul3A_197 : vector<16xf32>
      %broadcast_in_dim3A_199 = arith.constant 19 : i32
      %broadcast_in_dim3A_200 = vector.broadcast %broadcast_in_dim3A_199 : i32 to vector<16xi32>
      %gather3A_201 = tpu.vector_load_idx %arg7[%add3A_103, %broadcast_in_dim3A_200] : memref<512x32xf32, #tpu.memory_space<vmem>>[vector<16xi32>, vector<16xi32>], vector<16xf32>,
      %mul3A_202 = arith.mulf %gather3A_201, %gather3A_201 : vector<16xf32>
      %add3A_203 = arith.addf %add3A_198, %mul3A_202 : vector<16xf32>
      %broadcast_in_dim3A_204 = arith.constant 20 : i32
      %broadcast_in_dim3A_205 = vector.broadcast %broadcast_in_dim3A_204 : i32 to vector<16xi32>
      %gather3A_206 = tpu.vector_load_idx %arg7[%add3A_103, %broadcast_in_dim3A_205] : memref<512x32xf32, #tpu.memory_space<vmem>>[vector<16xi32>, vector<16xi32>], vector<16xf32>,
      %mul3A_207 = arith.mulf %gather3A_206, %gather3A_206 : vector<16xf32>
      %add3A_208 = arith.addf %add3A_203, %mul3A_207 : vector<16xf32>
      %broadcast_in_dim3A_209 = arith.constant 21 : i32
      %broadcast_in_dim3A_210 = vector.broadcast %broadcast_in_dim3A_209 : i32 to vector<16xi32>
      %gather3A_211 = tpu.vector_load_idx %arg7[%add3A_103, %broadcast_in_dim3A_210] : memref<512x32xf32, #tpu.memory_space<vmem>>[vector<16xi32>, vector<16xi32>], vector<16xf32>,
      %mul3A_212 = arith.mulf %gather3A_211, %gather3A_211 : vector<16xf32>
      %add3A_213 = arith.addf %add3A_208, %mul3A_212 : vector<16xf32>
      %broadcast_in_dim3A_214 = arith.constant 22 : i32
      %broadcast_in_dim3A_215 = vector.broadcast %broadcast_in_dim3A_214 : i32 to vector<16xi32>
      %gather3A_216 = tpu.vector_load_idx %arg7[%add3A_103, %broadcast_in_dim3A_215] : memref<512x32xf32, #tpu.memory_space<vmem>>[vector<16xi32>, vector<16xi32>], vector<16xf32>,
      %mul3A_217 = arith.mulf %gather3A_216, %gather3A_216 : vector<16xf32>
      %add3A_218 = arith.addf %add3A_213, %mul3A_217 : vector<16xf32>
      %broadcast_in_dim3A_219 = arith.constant 23 : i32
      %broadcast_in_dim3A_220 = vector.broadcast %broadcast_in_dim3A_219 : i32 to vector<16xi32>
      %gather3A_221 = tpu.vector_load_idx %arg7[%add3A_103, %broadcast_in_dim3A_220] : memref<512x32xf32, #tpu.memory_space<vmem>>[vector<16xi32>, vector<16xi32>], vector<16xf32>,
      %mul3A_222 = arith.mulf %gather3A_221, %gather3A_221 : vector<16xf32>
      %add3A_223 = arith.addf %add3A_218, %mul3A_222 : vector<16xf32>
      %broadcast_in_dim3A_224 = arith.constant 24 : i32
      %broadcast_in_dim3A_225 = vector.broadcast %broadcast_in_dim3A_224 : i32 to vector<16xi32>
      %gather3A_226 = tpu.vector_load_idx %arg7[%add3A_103, %broadcast_in_dim3A_225] : memref<512x32xf32, #tpu.memory_space<vmem>>[vector<16xi32>, vector<16xi32>], vector<16xf32>,
      %mul3A_227 = arith.mulf %gather3A_226, %gather3A_226 : vector<16xf32>
      %add3A_228 = arith.addf %add3A_223, %mul3A_227 : vector<16xf32>
      %broadcast_in_dim3A_229 = arith.constant 25 : i32
      %broadcast_in_dim3A_230 = vector.broadcast %broadcast_in_dim3A_229 : i32 to vector<16xi32>
      %gather3A_231 = tpu.vector_load_idx %arg7[%add3A_103, %broadcast_in_dim3A_230] : memref<512x32xf32, #tpu.memory_space<vmem>>[vector<16xi32>, vector<16xi32>], vector<16xf32>,
      %mul3A_232 = arith.mulf %gather3A_231, %gather3A_231 : vector<16xf32>
      %add3A_233 = arith.addf %add3A_228, %mul3A_232 : vector<16xf32>
      %broadcast_in_dim3A_234 = arith.constant 26 : i32
      %broadcast_in_dim3A_235 = vector.broadcast %broadcast_in_dim3A_234 : i32 to vector<16xi32>
      %gather3A_236 = tpu.vector_load_idx %arg7[%add3A_103, %broadcast_in_dim3A_235] : memref<512x32xf32, #tpu.memory_space<vmem>>[vector<16xi32>, vector<16xi32>], vector<16xf32>,
      %mul3A_237 = arith.mulf %gather3A_236, %gather3A_236 : vector<16xf32>
      %add3A_238 = arith.addf %add3A_233, %mul3A_237 : vector<16xf32>
      %broadcast_in_dim3A_239 = arith.constant 27 : i32
      %broadcast_in_dim3A_240 = vector.broadcast %broadcast_in_dim3A_239 : i32 to vector<16xi32>
      %gather3A_241 = tpu.vector_load_idx %arg7[%add3A_103, %broadcast_in_dim3A_240] : memref<512x32xf32, #tpu.memory_space<vmem>>[vector<16xi32>, vector<16xi32>], vector<16xf32>,
      %mul3A_242 = arith.mulf %gather3A_241, %gather3A_241 : vector<16xf32>
      %add3A_243 = arith.addf %add3A_238, %mul3A_242 : vector<16xf32>
      %broadcast_in_dim3A_244 = arith.constant 28 : i32
      %broadcast_in_dim3A_245 = vector.broadcast %broadcast_in_dim3A_244 : i32 to vector<16xi32>
      %gather3A_246 = tpu.vector_load_idx %arg7[%add3A_103, %broadcast_in_dim3A_245] : memref<512x32xf32, #tpu.memory_space<vmem>>[vector<16xi32>, vector<16xi32>], vector<16xf32>,
      %mul3A_247 = arith.mulf %gather3A_246, %gather3A_246 : vector<16xf32>
      %add3A_248 = arith.addf %add3A_243, %mul3A_247 : vector<16xf32>
      %broadcast_in_dim3A_249 = arith.constant 29 : i32
      %broadcast_in_dim3A_250 = vector.broadcast %broadcast_in_dim3A_249 : i32 to vector<16xi32>
      %gather3A_251 = tpu.vector_load_idx %arg7[%add3A_103, %broadcast_in_dim3A_250] : memref<512x32xf32, #tpu.memory_space<vmem>>[vector<16xi32>, vector<16xi32>], vector<16xf32>,
      %mul3A_252 = arith.mulf %gather3A_251, %gather3A_251 : vector<16xf32>
      %add3A_253 = arith.addf %add3A_248, %mul3A_252 : vector<16xf32>
      %broadcast_in_dim3A_254 = arith.constant 30 : i32
      %broadcast_in_dim3A_255 = vector.broadcast %broadcast_in_dim3A_254 : i32 to vector<16xi32>
      %gather3A_256 = tpu.vector_load_idx %arg7[%add3A_103, %broadcast_in_dim3A_255] : memref<512x32xf32, #tpu.memory_space<vmem>>[vector<16xi32>, vector<16xi32>], vector<16xf32>,
      %mul3A_257 = arith.mulf %gather3A_256, %gather3A_256 : vector<16xf32>
      %add3A_258 = arith.addf %add3A_253, %mul3A_257 : vector<16xf32>
      %broadcast_in_dim3A_259 = arith.constant 31 : i32
      %broadcast_in_dim3A_260 = vector.broadcast %broadcast_in_dim3A_259 : i32 to vector<16xi32>
      %gather3A_261 = tpu.vector_load_idx %arg7[%add3A_103, %broadcast_in_dim3A_260] : memref<512x32xf32, #tpu.memory_space<vmem>>[vector<16xi32>, vector<16xi32>], vector<16xf32>,
      %mul3A_262 = arith.mulf %gather3A_261, %gather3A_261 : vector<16xf32>
      %add3A_263 = arith.addf %add3A_258, %mul3A_262 : vector<16xf32>
      %bitcast3A = vector.bitcast %add3A_263 : vector<16xf32> to vector<16xi32>
      %shift_right_arithmetic3A = arith.constant 1 : i32
      %shift_right_arithmetic3A_264 = vector.broadcast %shift_right_arithmetic3A : i32 to vector<16xi32>
      %shift_right_arithmetic3A_265 = arith.shrsi %bitcast3A, %shift_right_arithmetic3A_264 : vector<16xi32>
      %sub3A = arith.constant 1597463007 : i32
      %sub3A_266 = vector.broadcast %sub3A : i32 to vector<16xi32>
      %sub3A_267 = arith.subi %sub3A_266, %shift_right_arithmetic3A_265 : vector<16xi32>
      %bitcast3A_268 = vector.bitcast %sub3A_267 : vector<16xi32> to vector<16xf32>
      %mul3A_269 = arith.constant 5.000000e-01 : f32
      %mul3A_270 = vector.broadcast %mul3A_269 : f32 to vector<16xf32>
      %mul3A_271 = arith.mulf %mul3A_270, %add3A_263 : vector<16xf32>
      %mul3A_272 = arith.mulf %mul3A_271, %bitcast3A_268 : vector<16xf32>
      %mul3A_273 = arith.mulf %mul3A_272, %bitcast3A_268 : vector<16xf32>
      %sub3A_274 = arith.constant 1.500000e+00 : f32
      %sub3A_275 = vector.broadcast %sub3A_274 : f32 to vector<16xf32>
      %sub3A_276 = arith.subf %sub3A_275, %mul3A_273 : vector<16xf32>
      %mul3A_277 = arith.mulf %bitcast3A_268, %sub3A_276 : vector<16xf32>
      %mul3A_278 = arith.constant 5.000000e-01 : f32
      %mul3A_279 = vector.broadcast %mul3A_278 : f32 to vector<16xf32>
      %mul3A_280 = arith.mulf %mul3A_279, %add3A_263 : vector<16xf32>
      %mul3A_281 = arith.mulf %mul3A_280, %mul3A_277 : vector<16xf32>
      %mul3A_282 = arith.mulf %mul3A_281, %mul3A_277 : vector<16xf32>
      %sub3A_283 = arith.constant 1.500000e+00 : f32
      %sub3A_284 = vector.broadcast %sub3A_283 : f32 to vector<16xf32>
      %sub3A_285 = arith.subf %sub3A_284, %mul3A_282 : vector<16xf32>
      %mul3A_286 = arith.mulf %mul3A_277, %sub3A_285 : vector<16xf32>
      %mul3A_287 = arith.constant 5.000000e-01 : f32
      %mul3A_288 = vector.broadcast %mul3A_287 : f32 to vector<16xf32>
      %mul3A_289 = arith.mulf %mul3A_288, %add3A_263 : vector<16xf32>
      %mul3A_290 = arith.mulf %mul3A_289, %mul3A_286 : vector<16xf32>
      %mul3A_291 = arith.mulf %mul3A_290, %mul3A_286 : vector<16xf32>
      %sub3A_292 = arith.constant 1.500000e+00 : f32
      %sub3A_293 = vector.broadcast %sub3A_292 : f32 to vector<16xf32>
      %sub3A_294 = arith.subf %sub3A_293, %mul3A_291 : vector<16xf32>
      %mul3A_295 = arith.mulf %mul3A_286, %sub3A_294 : vector<16xf32>
      %mul3A_296 = arith.constant 5.000000e-01 : f32
      %mul3A_297 = vector.broadcast %mul3A_296 : f32 to vector<16xf32>
      %mul3A_298 = arith.mulf %mul3A_297, %add3A_263 : vector<16xf32>
      %mul3A_299 = arith.mulf %mul3A_298, %mul3A_295 : vector<16xf32>
      %mul3A_300 = arith.mulf %mul3A_299, %mul3A_295 : vector<16xf32>
      %sub3A_301 = arith.constant 1.500000e+00 : f32
      %sub3A_302 = vector.broadcast %sub3A_301 : f32 to vector<16xf32>
      %sub3A_303 = arith.subf %sub3A_302, %mul3A_300 : vector<16xf32>
      %mul3A_304 = arith.mulf %mul3A_295, %sub3A_303 : vector<16xf32>
      %gt3A = arith.constant 0.000000e+00 : f32
      %gt3A_305 = vector.broadcast %gt3A : f32 to vector<16xf32>
      %gt3A_306 = arith.cmpf ogt, %add3A_263, %gt3A_305 : vector<16xf32>
      %mul3A_307 = arith.mulf %add3A_263, %mul3A_304 : vector<16xf32>
      %jit3A = arith.constant 0.000000e+00 : f32
      %broadcast_in_dim3A_308 = vector.broadcast %jit3A : f32 to vector<16xf32>
      %select_n3A = arith.select %gt3A_306, %mul3A_307, %broadcast_in_dim3A_308 : vector<16xi1>, vector<16xf32>
      %mul3A_309 = arith.constant 16 : i32
      %mul3A_310 = arith.muli %scan3A_98, %mul3A_309 : i32
      %swap3A = arith.index_cast %mul3A_310 : i32 to index
      %swap3A_311 = tpu.vector_load %arg8[%swap3A] {strides = array<i32>} : memref<512xf32, #tpu.memory_space<vmem>>, vector<16xf32>,
      tpu.vector_store %arg8[%swap3A], %select_n3A {strides = array<i32>} : memref<512xf32, #tpu.memory_space<vmem>>, vector<16xf32>,
      %scan3A_312 = arith.constant 0 : i32
      scf.yield %scan3A_312 : i32
    }
    %scan3A_97 = arith.constant 32 : i32
    "tpu.region"() ({
      %run_scoped3A_98 = tpu.sem_alloc : memref<!tpu.dma_semaphore, #tpu.memory_space<semaphore_mem>>
      %dma_start3A_99 = arith.constant 0 : i32
      %dma_start3A_100 = tpu.memref_slice %arg4[%mul3A_2, %dma_start3A_99] : memref<16384x32xf32, #tpu.memory_space<hbm>> -> memref<512x32xf32, #tpu.memory_space<hbm>>
      %dma_start3A_101 = arith.constant 0 : i32
      %dma_start3A_102 = tpu.memref_slice %arg4[%mul3A_2, %dma_start3A_101] : memref<16384x32xf32, #tpu.memory_space<hbm>> -> memref<512x32xf32, #tpu.memory_space<hbm>>
      tpu.enqueue_dma source(%arg7 : memref<512x32xf32, #tpu.memory_space<vmem>>) target(%dma_start3A_102 : memref<512x32xf32, #tpu.memory_space<hbm>>) target_semaphore(%run_scoped3A_98 : memref<!tpu.dma_semaphore, #tpu.memory_space<semaphore_mem>>)
      %dma_wait3A_103 = arith.constant 0 : i32
      %dma_wait3A_104 = tpu.memref_slice %arg4[%mul3A_2, %dma_wait3A_103] : memref<16384x32xf32, #tpu.memory_space<hbm>> -> memref<512x32xf32, #tpu.memory_space<hbm>>
      %dma_wait3A_105 = arith.constant 0 : i32
      %dma_wait3A_106 = tpu.memref_slice %arg4[%mul3A_2, %dma_wait3A_105] : memref<16384x32xf32, #tpu.memory_space<hbm>> -> memref<512x32xf32, #tpu.memory_space<hbm>>
      tpu.wait_dma2 semaphore(%run_scoped3A_98 : memref<!tpu.dma_semaphore, #tpu.memory_space<semaphore_mem>>) src(%arg7 : memref<512x32xf32, #tpu.memory_space<vmem>>) dst(%dma_wait3A_106 : memref<512x32xf32, #tpu.memory_space<hbm>>)
      tpu.yield
    }) : () -> ()
    "tpu.region"() ({
      %run_scoped3A_98 = tpu.sem_alloc : memref<!tpu.dma_semaphore, #tpu.memory_space<semaphore_mem>>
      %dma_start3A_99 = tpu.memref_slice %arg5[%mul3A_2] : memref<16384xf32, #tpu.memory_space<hbm>> -> memref<512xf32, #tpu.memory_space<hbm>>
      %dma_start3A_100 = tpu.memref_slice %arg5[%mul3A_2] : memref<16384xf32, #tpu.memory_space<hbm>> -> memref<512xf32, #tpu.memory_space<hbm>>
      tpu.enqueue_dma source(%arg8 : memref<512xf32, #tpu.memory_space<vmem>>) target(%dma_start3A_100 : memref<512xf32, #tpu.memory_space<hbm>>) target_semaphore(%run_scoped3A_98 : memref<!tpu.dma_semaphore, #tpu.memory_space<semaphore_mem>>)
      %dma_wait3A_101 = tpu.memref_slice %arg5[%mul3A_2] : memref<16384xf32, #tpu.memory_space<hbm>> -> memref<512xf32, #tpu.memory_space<hbm>>
      %dma_wait3A_102 = tpu.memref_slice %arg5[%mul3A_2] : memref<16384xf32, #tpu.memory_space<hbm>> -> memref<512xf32, #tpu.memory_space<hbm>>
      tpu.wait_dma2 semaphore(%run_scoped3A_98 : memref<!tpu.dma_semaphore, #tpu.memory_space<semaphore_mem>>) src(%arg8 : memref<512xf32, #tpu.memory_space<vmem>>) dst(%dma_wait3A_102 : memref<512xf32, #tpu.memory_space<hbm>>)
      tpu.yield
    }) : () -> ()
    return
  }
}

</mosaic_0001>

<sc_bundles>
// kernel: kernel.3.cloned.1.call-start
scs
__scs_entry_jumppad:
0x0: {  	(pc) =	sbr.rel $0x88, $3  }
0x1: {  	(tag) =	ssettag $0x0;
	lr =	simm.s32 $0x1  }
0x2: {  	[smem:$0x3F9F] =	sst lr;
	_ =	strace $0xD0000000  }
0x3: {  	_ = 	snop  }
0x4: {  	_ = 	snop  }
0x5: {  	_ = 	snop  }
0x6: {  	_ = 	snop  }
0x7: {  	_ = 	snop  }
__scs_overlays_trampoline_lowered:
0x8: {  	[smem:$0x3FAE] =	sst s0  }
0x9: {  	[smem:$0x3FAF] =	sst s1  }
0xa: {  	[smem:$0x3FB0] =	sst s2  }
0xb: {  	[smem:$0x3FB1] =	sst s3  }
0xc: {  	[smem:$0x3FB2] =	sst s4  }
0xd: {  	[smem:$0x3FB3] =	sst s5  }
0xe: {  	[smem:$0x3FB4] =	sst s6  }
0xf: {  	[smem:$0x3FB5] =	sst s7  }
0x10: {  	[smem:$0x3FB6] =	sst s8  }
0x11: {  	[smem:$0x3FB7] =	sst s9;
	s0 =	simm.s32 @!p0 $0x0  }
0x12: {  	s1 =	sld [smem:$0x3F9D];
	s0 =	simm.s32 @p0 $0x1  }
0x13: {  	[smem:$0x3FB8] =	sst s0;
	s0 =	simm.s32 @!p1 $0x0  }
0x14: {  	s2 =	sld [smem:$0x3F9C];
	s0 =	simm.s32 @p1 $0x1  }
0x15: {  	[smem:$0x3FB9] =	sst s0;
	s0 =	simm.s32 @!p2 $0x0  }
0x16: {  	s3 =	sld [smem:$0x3FDB];
	s0 =	simm.s32 @p2 $0x1  }
0x17: {  	s4 =	simm.s32 $0x1BF5;
	[smem:$0x3FBB] =	sst s0  }
0x18: {  	s0 =	sld [smem:$0x3F9E];
	_ =	swait.ge [sflag:s4], $0x0  }
0x19: {  	s7 =	sld [smem:$0x3F9F]  }
0x1a: {  	s8 =	sadd.s32 $0xFFFFE003, lr  }
0x1b: {  	s9 =	sadd.s32 $0xFFFFFEF7, lr;
	s5 =	simm.s32 $0xFFFFFFFF;
	p2 =	slt.u32 s8, $0xFFFFF086  }
0x1c: {  	p1 =	slt.u32 s9, $0xF7A;
	s5 =	simm.s32 @!p2 $0x0  }
0x1d: {  	s5 =	simm.s32 @p1 $0x1;
	p0 =	seq.s32 s7, s2  }
0x1e: {  	s7 =	smul.u32 @!p0 $0xF7A, s2;
	p2 =	seq.s32 @!p0 s5, $0x0  }
0x1f: {  	s9 =	smul.u32 $0xF7A, s1;
	s8 =	simm.s32 @!p0 $0x1BF5;
	p2 =	por !p2, p0  }
0x20: {  	[sflag:s8] =	ssyncset.s32 @!p0 $0xFFFFF086;
	s6 =	sadd.s32 @!p0 s3, s7;
	s7 =	simm.s32 @!p0 $0x108  }
0x21: {  	s3 =	sadd.s32 s3, s9;
	s6 =	sadd.s32 @!p0 $0x88, s6;
	s7 =	simm.s32 @p2 $0x1082  }
0x22: {  	[simem:s7], [sflag:s8] =	dma.local @!p0 [hbm:s6], $0xF7A  }
0x23: {  	s9 =	sor.u32 $0xD0000000, s2;
	s6 =	simm.s32 $0x108;
	_ =	swait.ge @!p0 [sflag:s8], $0x0  }
0x24: {  	s3 =	sadd.s32 $0x88, s3;
	s6 =	simm.s32 @!p1 $0x1082;
	[sflag:s4] =	ssyncset.s32 $0xFFFFF086  }
0x25: {  	[simem:s6], [sflag:s4] =	dma.local [hbm:s3], $0xF7A  }
0x26: {  	[smem:$0x3F9F] =	sst s1;
	(tag) =	ssettag s2;
	_ =	strace s9  }
0x27: {  	s1 =	sld [smem:$0x3FAF]  }
0x28: {  	s2 =	sld [smem:$0x3FB0]  }
0x29: {  	s4 =	sld [smem:$0x3FB2]  }
0x2a: {  	p0 =	seq.s32 s5, $0x0;
	s5 =	sld [smem:$0x3FB3]  }
0x2b: {  	s6 =	sld [smem:$0x3FB4]  }
0x2c: {  	s7 =	sld [smem:$0x3FB5]  }
0x2d: {  	s3 =	simm.s32 $0x108;
	s8 =	sld [smem:$0x3FB6]  }
0x2e: {  	s3 =	simm.s32 @!p0 $0x1082;
	s9 =	sld [smem:$0x3FB7]  }
0x2f: {  	lr =	sadd.s32 s0, s3;
	s0 =	sld [smem:$0x3FAE]  }
0x30: {  	s3 =	sld [smem:$0x3FB1]  }
0x31: {  	[smem:$0x3FBA] =	sst s10  }
0x32: {  	s10 =	sld [smem:$0x3FB8];
	_ =	sdelay $0x3  }
0x33: {  	p0 =	seq.s32 s10, $0x1;
	s10 =	sld [smem:$0x3FBA];
	_ =	sdelay $0x3  }
0x34: {  	[smem:$0x3FBA] =	sst s10  }
0x35: {  	s10 =	sld [smem:$0x3FB9];
	_ =	sdelay $0x3  }
0x36: {  	p1 =	seq.s32 s10, $0x1;
	s10 =	sld [smem:$0x3FBA];
	_ =	sdelay $0x3  }
0x37: {  	[smem:$0x3FBA] =	sst s10  }
0x38: {  	s10 =	sld [smem:$0x3FBB]  }
0x39: {  	_ = 	snop;
	(pc) =	sbr.ind lr, $3  }
0x3a: {  	_ = 	snop  }
0x3b: {  	_ = 	snop  }
0x3c: {  	p2 =	seq.s32 s10, $0x1;
	s10 =	sld [smem:$0x3FBA]  }
0x3d: {  	_ =	shalt  }
0x3e: {  	_ =	shalt  }
0x3f: {  	_ =	shalt  }
0x40: {  	_ =	shalt  }
0x41: {  	_ =	shalt  }
0x42: {  	_ =	shalt  }
0x43: {  	_ =	shalt  }
0x44: {  	_ =	shalt  }
0x45: {  	_ =	shalt  }
0x46: {  	_ =	shalt  }
0x47: {  	_ =	shalt  }
0x48: {  	_ =	shalt  }
0x49: {  	_ =	shalt  }
0x4a: {  	_ =	shalt  }
0x4b: {  	_ =	shalt  }
0x4c: {  	_ =	shalt  }
0x4d: {  	_ =	shalt  }
0x4e: {  	_ =	shalt  }
0x4f: {  	_ =	shalt  }
0x50: {  	_ =	shalt  }
0x51: {  	_ =	shalt  }
0x52: {  	_ =	shalt  }
0x53: {  	_ =	shalt  }
0x54: {  	_ =	shalt  }
0x55: {  	_ =	shalt  }
0x56: {  	_ =	shalt  }
0x57: {  	_ =	shalt  }
0x58: {  	_ =	shalt  }
0x59: {  	_ =	shalt  }
0x5a: {  	_ =	shalt  }
0x5b: {  	_ =	shalt  }
0x5c: {  	_ =	shalt  }
0x5d: {  	_ =	shalt  }
0x5e: {  	_ =	shalt  }
0x5f: {  	_ =	shalt  }
0x60: {  	_ =	shalt  }
0x61: {  	_ =	shalt  }
0x62: {  	_ =	shalt  }
0x63: {  	_ =	shalt  }
0x64: {  	_ =	shalt  }
0x65: {  	_ =	shalt  }
0x66: {  	_ =	shalt  }
0x67: {  	_ =	shalt  }
0x68: {  	_ =	shalt  }
0x69: {  	_ =	shalt  }
0x6a: {  	_ =	shalt  }
0x6b: {  	_ =	shalt  }
0x6c: {  	_ =	shalt  }
0x6d: {  	_ =	shalt  }
0x6e: {  	_ =	shalt  }
0x6f: {  	_ =	shalt  }
0x70: {  	_ =	shalt  }
0x71: {  	_ =	shalt  }
0x72: {  	_ =	shalt  }
0x73: {  	_ =	shalt  }
0x74: {  	_ =	shalt  }
0x75: {  	_ =	shalt  }
0x76: {  	_ =	shalt  }
0x77: {  	_ =	shalt  }
0x78: {  	_ =	shalt  }
0x79: {  	_ =	shalt  }
0x7a: {  	_ =	shalt  }
0x7b: {  	_ =	shalt  }
0x7c: {  	_ =	shalt  }
0x7d: {  	_ =	shalt  }
0x7e: {  	_ =	shalt  }
0x7f: {  	_ =	shalt  }
0x80: {  	_ =	shalt  }
0x81: {  	_ =	shalt  }
0x82: {  	_ =	shalt  }
0x83: {  	_ =	shalt  }
0x84: {  	_ =	shalt  }
0x85: {  	_ =	shalt  }
0x86: {  	_ =	shalt  }
0x87: {  	_ =	shalt  }
.Lfunc_end0:
.L_simem_size_0:
called_computation_lowered:
.L_overlay_start_0:
0x88: {  	s2 =	sld [smem:$0x3FD9]  }
0x89: {  	s3 =	sld [smem:$0x3FFE];
	_ =	sdelay $0x1  }
0x8a: {  	s1 =	srdreg.scid  }
0x8b: {  	s0 =	sand.u32 $0x1, s1  }
0x8c: {  	s14 =	sshll.u32 s0, $0xA;
	s2 =	sadd.s32 s3, s2  }
0x8d: {  	s2 =	sadd.s32 s2, s14  }
0x8e: {  	[smem:$0x3FC6] =	sst s2  }
0x8f: {  	_ = 	snop  }
0x90: {  	s2 =	sld [smem:$0x3FD0];
	_ =	sdelay $0x2  }
0x91: {  	s4 =	simm.s32 $0xA;
	s5 =	simm.s32 $0x10;
	s15 =	sld [smem:$0x3FC9]  }
0x92: {  	[smem:s5], [sflag:s4] =	dma.local [hbm:s2], $0x1  }
0x93: {  	_ =	swait.eq [sflag:s4], $0x1  }
0x94: {  	[sflag:s4] =	ssyncset.done $0x0  }
0x95: {  	s16 =	sld [smem:$0x10];
	[sflag:s4] =	ssyncadd.s32 $0xFFFFFFFF  }
0x96: {  	s17 =	sld [smem:$0x11];
	(tm) =	ssettm $0x1  }
0x97: {  	s18 =	sld [smem:$0x3FFB];
	_ =	sdelay $0x3  }
0x98: {  	_ =	strace s18  }
0x99: {  	s5 =	sld [smem:$0x3FFC];
	_ =	sdelay $0x3  }
0x9a: {  	_ =	strace s5  }
0x9b: {  	s5 =	sld [smem:$0x3FFD];
	_ =	sdelay $0x3  }
0x9c: {  	_ =	strace s5  }
0x9d: {  	_ =	strace $0x8FFFFFFF  }
0x9e: {  	s19 =	sld [smem:$0x3FDB];
	_ =	sdelay $0x1  }
0x9f: {  	s6 =	simm.s32 $_scs_section_size  }
0xa0: {  	s7 =	simm.s32 $_size__tile_overlayer_lowered;
	s8 =	simm.s32 $_tile_overlayer_lowered  }
0xa1: {  	s22 =	simm.s32 $0x1BFF;
	s21 =	sshll.u32 s8, $0x1;
	s5 =	sadd.s32 s6, s19  }
0xa2: {  	s9 =	simm.s32 $0x0;
	s20 =	sshll.u32 s7, $0x1;
	s7 =	sadd.s32 s21, s5  }
0xa3: {  	[timem:s9], [sflag:s22] =	dma.local [hbm:s7], s20  }
0xa4: {  	_ =	swait.ge [sflag:s22], s20  }
0xa5: {  	s6 =	ssub.s32 $0x0, s20;
	[sflag:s22] =	ssyncset.done $0x0  }
0xa6: {  	[sflag:s22] =	ssyncadd.s32 s6;
	_ =	sdelay $0x1  }
0xa7: {  	s23 =	simm.s32 $0x1B8B  }
0xa8: {  	_ =	swait.ge [sflag:s23], $0x1  }
0xa9: {  	[sflag:s23] =	ssyncset.done $0x0  }
0xaa: {  	s25 =	simm.s32 $0x1B8E;
	s24 =	sld [smem:$0x3FFE];
	[sflag:s23] =	ssyncadd.s32 $0xFFFFFFFF  }
0xab: {  	s26 =	simm.s32 $execute0_lowered;
	[smem:$0x3FD2] =	sst s25  }
0xac: {  	s7 =	sshll.u32 s26, $0x1;
	_ =	strace $0x80000046;
	[dreg:$0x1] =	wrdreg $0xFFFFFFFF  }
0xad: {  	s28 =	simm.s32 $_size_execute0_lowered;
	s5 =	sadd.s32 s5, s7;
	[dreg:$0x0] =	wrdreg $0x0  }
0xae: {  	s7 =	sshll.u32 s28, $0x1;
	[dreg:$0x2] =	wrdreg s5  }
0xaf: {  	[dreg:$0x3] =	wrdreg s7  }
0xb0: {  	[dreg:$0x4] =	wrdreg $0xC0  }
0xb1: {  	_ =	task [dreg:s9], $0x5FFFF  }
0xb2: {  	[dreg:$0x1] =	wrdreg $0xFFFFFFFF  }
0xb3: {  	[dreg:$0x0] =	wrdreg $0x60  }
0xb4: {  	[dreg:$0x2] =	wrdreg s15  }
0xb5: {  	[dreg:$0x3] =	wrdreg s24  }
0xb6: {  	[dreg:$0x4] =	wrdreg s16  }
0xb7: {  	[dreg:$0x5] =	wrdreg s17  }
0xb8: {  	[dreg:$0x6] =	wrdreg $0x9  }
0xb9: {  	_ =	task.clear_ibuf [dreg:s9], $0x7FFFF;
	_ =	strace $0x90000046  }
0xba: {  	s29 =	simm.s32 $0x9;
	_ =	strace $0x80000048  }
0xbb: {  	_ =	swait.ge [sflag:s29], $0x1  }
0xbc: {  	[sflag:s29] =	ssyncadd.s32 $0xFFFFFFFF  }
0xbd: {  	_ =	strace $0x90000048  }
0xbe: {  	_ =	sfence  }
0xbf: {  	s30 =	sld [smem:$0x0];
	_ =	sdelay $0x2  }
0xc0: {  	s31 =	sshll.u32 s1, $0xD;
	s1 =	sshrl.u32 s1, $0x2  }
0xc1: {  	s3 =	sand.u32 $0x4000, s31;
	s1 =	sadd.s32 s1, s30  }
0xc2: {  	s0 =	sor.u32 s3, s0;
	s1 =	sshll.u32 s1, $0x11  }
0xc3: {  	s0 =	sor.u32 s1, s0  }
0xc4: {  	s0 =	sadd.s32 $0x8F2B, s0  }
0xc5: {  	[sflag:s0] =	ssyncadd.remote.s32 $0x1  }
0xc6: {  	_ =	sfence.sel $0xFFFF  }
0xc7: {  	[dreg:$0x0] =	wrdreg $0xFFFFFFFF;
	(pc) =	sbr.abs _section_cstart, $3  }
0xc8: {  	[dreg:$0x1] =	wrdreg $0xFFFFFFFF  }
0xc9: {  	_ =	task.clear_ibuf [dreg:s9], $0x2FFFF;
	_ =	strace $0x9FFFFFFF  }
0xca: {  	(tm) =	ssettm $0x7FFFFFFF  }
0xcb: {  	_ =	shalt  }
tec
execute0_lowered:
.L_overlay_start_1:
0x0: {  	(tag) =	ssettag $0x1  }
0x1: {  	s4 =	rddreg [dreg:$0x0]  }
0x2: {  	s3 =	rddreg [dreg:$0x1]  }
0x3: {  	s8 =	rddreg [dreg:$0x2]  }
0x4: {  	s9 =	rddreg [dreg:$0x3];
	s2 =	srdreg.scid  }
0x5: {  	s0 =	rddreg [dreg:$0x4];
	s1 =	stileid.u32;
	s13 =	simm.s32 $0x100  }
0x6: {  	s14 =	simm.s32 $0x180;
	s15 =	simm.s32 $0x200;
	s16 =	simm.s32 $0x1200  }
0x7: {  	s17 =	simm.s32 $0x2200;
	s18 =	simm.s32 $0x3200;
	s19 =	simm.s32 $0x1  }
0x8: {  	s20 =	simm.s32 $0x4200;
	s21 =	simm.s32 $0x0;
	s5 =	sand.u32 $0x1, s2  }
0x9: {  	s2 =	simm.s32 $0x0;
	s6 =	sshll.u32 s1, $0xA;
	s3 =	sadd.s32 $0xF42C00, s3  }
0xa: {  	s7 =	sshll.u32 s5, $0x9;
	[smem:$0x7FF] =	sst s2;
	s5 =	ssub.s32 $0x2, s5  }
0xb: {  	s7 =	sor.u32 s7, s6;
	_ =	strace $0x80000047;
	s31 =	sshrl.u32 s5, $0x1  }
0xc: {  	s10 =	sshrl.u32 s7, $0x3;
	s11 =	ssub.s32 s5, s31;
	s12 =	sshll.u32 s7, $0x2  }
0xd: {  	v0 =	vlaneseq.u32;
	s4 =	sadd.s32 s4, s10;
	s8 =	sadd.s32 s8, s12;
	s9 =	sadd.s32 s9, s10  }
0xe: {  	v0 =	vmul.u32 $0x20, v0;
	s10 =	smax.u32 s11, $0x1;
	s11 =	simm.s32 $0x2;
	s12 =	simm.s32 $0x80  }
0xf: {  	s5 =	sadd.s32 $0x10, s4;
	s6 =	sadd.s32 $0x20, s4;
	s7 =	sadd.s32 $0x30, s4  }
.LBB2_1:
0x10: {  	[tilespmem:s2], [sflag:$0x2] =	stream.linear.gather [hbm4b:s4+s2], $0x80, $0x38;
	[tilespmem:$0x4400] =	vst v63  }
0x11: {  	_ =	swait.ge [sflag:s11], $0x80  }
0x12: {  	[sflag:s11] =	ssyncset.done $0x0  }
0x13: {  	[sflag:s11] =	ssyncadd.s32 $0xFFFFFF80  }
0x14: {  	[tilespmem:s12], [sflag:$0x2] =	stream.linear.gather [hbm4b:s5+s2], $0x80, $0x38;
	[tilespmem:$0x4400] =	vst v63  }
0x15: {  	_ =	swait.ge [sflag:s11], $0x80  }
0x16: {  	[sflag:s11] =	ssyncset.done $0x0  }
0x17: {  	[sflag:s11] =	ssyncadd.s32 $0xFFFFFF80  }
0x18: {  	[tilespmem:s13], [sflag:$0x2] =	stream.linear.gather [hbm4b:s6+s2], $0x80, $0x38;
	[tilespmem:$0x4400] =	vst v63  }
0x19: {  	_ =	swait.ge [sflag:s11], $0x80  }
0x1a: {  	[sflag:s11] =	ssyncset.done $0x0  }
0x1b: {  	[sflag:s11] =	ssyncadd.s32 $0xFFFFFF80  }
0x1c: {  	[tilespmem:s14], [sflag:$0x2] =	stream.linear.gather [hbm4b:s7+s2], $0x80, $0x38;
	[tilespmem:$0x4400] =	vst v63  }
0x1d: {  	_ =	swait.ge [sflag:s11], $0x80  }
0x1e: {  	[sflag:s11] =	ssyncset.done $0x0  }
0x1f: {  	[sflag:s11] =	ssyncadd.s32 $0xFFFFFF80  }
0x20: {  	[tilespmem:s15], [sflag:$0x1] =	stream.indirect.gather [hbm4b:s3+s12], $0x20, s2, s12, $0xb8;
	[tilespmem:$0x4400] =	vst v63  }
0x21: {  	_ = 	snop  }
0x22: {  	[tilespmem:s16], [sflag:$0x1] =	stream.indirect.gather [hbm4b:s3+s12], $0x20, s12, s12, $0xb8;
	[tilespmem:$0x4400] =	vst v63  }
0x23: {  	_ = 	snop  }
0x24: {  	[tilespmem:s17], [sflag:$0x1] =	stream.indirect.gather [hbm4b:s3+s12], $0x20, s13, s12, $0xb8;
	[tilespmem:$0x4400] =	vst v63  }
0x25: {  	_ = 	snop  }
0x26: {  	[tilespmem:s18], [sflag:$0x1] =	stream.indirect.gather [hbm4b:s3+s12], $0x20, s14, s12, $0xb8;
	[tilespmem:$0x4400] =	vst v63  }
0x27: {  	_ =	swait.ge [sflag:s19], $0x1000  }
0x28: {  	[sflag:s19] =	ssyncset.done $0x0  }
0x29: {  	[sflag:s19] =	ssyncadd.s32 $0xFFFFF000  }
0x2a: {  	_ =	swait.ge [sflag:s19], $0x1000  }
0x2b: {  	v1 =	vmov s2;
	[sflag:s19] =	ssyncset.done $0x0  }
0x2c: {  	v1 =	vshll.u32 v1, $0x5;
	[sflag:s19] =	ssyncadd.s32 $0xFFFFF000  }
0x2d: {  	v1 =	vor.u32 v0, v1;
	_ =	swait.ge [sflag:s19], $0x1000  }
0x2e: {  	v2 =	vor.u32 $0x1, v1;
	[sflag:s19] =	ssyncset.done $0x0  }
0x2f: {  	[sflag:s19] =	ssyncadd.s32 $0xFFFFF000  }
0x30: {  	_ =	swait.ge [sflag:s19], $0x1000  }
0x31: {  	v3 =	vor.u32 $0x2, v1;
	[sflag:s19] =	ssyncset.done $0x0  }
0x32: {  	[sflag:s19] =	ssyncadd.s32 $0xFFFFF000  }
0x33: {  	v4 =	vor.u32 $0x3, v1;
	v2 =	vld.idx.msk [tilespmem:v2+s15+$0x0], $0xffff  }
0x34: {  	v5 =	vld.idx.msk [tilespmem:v1+s15+$0x0], $0xffff  }
0x35: {  	v6 =	vor.u32 $0x4, v1  }
0x36: {  	v3 =	vld.idx.msk [tilespmem:v3+s15+$0x0], $0xffff  }
0x37: {  	v7 =	vor.u32 $0x5, v1  }
0x38: {  	v4 =	vld.idx.msk [tilespmem:v4+s15+$0x0], $0xffff  }
0x39: {  	v8 =	vor.u32 $0x6, v1;
	v5 =	vmul.f32 v5, v5;
	v2 =	vmul.f32 v2, v2  }
0x3a: {  	v6 =	vld.idx.msk [tilespmem:v6+s15+$0x0], $0xffff  }
0x3b: {  	v9 =	vor.u32 $0x7, v1;
	v3 =	vmul.f32 v3, v3;
	v2 =	vadd.f32 v2, v5  }
0x3c: {  	v5 =	vld.idx.msk [tilespmem:v7+s15+$0x0], $0xffff  }
0x3d: {  	v7 =	vor.u32 $0x8, v1;
	v2 =	vadd.f32 v3, v2;
	v3 =	vmul.f32 v4, v4  }
0x3e: {  	v4 =	vld.idx.msk [tilespmem:v8+s15+$0x0], $0xffff  }
0x3f: {  	v32 =	vor.u32 $0x9, v1;
	v2 =	vadd.f32 v3, v2;
	v3 =	vmul.f32 v6, v6  }
0x40: {  	v6 =	vld.idx.msk [tilespmem:v9+s15+$0x0], $0xffff  }
0x41: {  	v33 =	vor.u32 $0xA, v1;
	v2 =	vadd.f32 v3, v2;
	v3 =	vmul.f32 v5, v5  }
0x42: {  	v5 =	vld.idx.msk [tilespmem:v7+s15+$0x0], $0xffff  }
0x43: {  	v7 =	vor.u32 $0xB, v1;
	v2 =	vadd.f32 v3, v2;
	v3 =	vmul.f32 v4, v4  }
0x44: {  	v4 =	vld.idx.msk [tilespmem:v32+s15+$0x0], $0xffff  }
0x45: {  	v34 =	vor.u32 $0xC, v1;
	v2 =	vadd.f32 v3, v2;
	v3 =	vmul.f32 v6, v6  }
0x46: {  	v6 =	vld.idx.msk [tilespmem:v33+s15+$0x0], $0xffff  }
0x47: {  	v35 =	vor.u32 $0xD, v1;
	v2 =	vadd.f32 v3, v2;
	v3 =	vmul.f32 v5, v5  }
0x48: {  	v5 =	vld.idx.msk [tilespmem:v7+s15+$0x0], $0xffff  }
0x49: {  	v7 =	vor.u32 $0xE, v1;
	v2 =	vadd.f32 v3, v2;
	v3 =	vmul.f32 v4, v4  }
0x4a: {  	v4 =	vld.idx.msk [tilespmem:v34+s15+$0x0], $0xffff  }
0x4b: {  	v36 =	vor.u32 $0xF, v1;
	v2 =	vadd.f32 v3, v2;
	v3 =	vmul.f32 v6, v6  }
0x4c: {  	v6 =	vld.idx.msk [tilespmem:v35+s15+$0x0], $0xffff  }
0x4d: {  	v37 =	vor.u32 $0x10, v1;
	v2 =	vadd.f32 v3, v2;
	v3 =	vmul.f32 v5, v5  }
0x4e: {  	v5 =	vld.idx.msk [tilespmem:v7+s15+$0x0], $0xffff  }
0x4f: {  	v7 =	vor.u32 $0x11, v1;
	v2 =	vadd.f32 v3, v2;
	v3 =	vmul.f32 v4, v4  }
0x50: {  	v4 =	vld.idx.msk [tilespmem:v36+s15+$0x0], $0xffff  }
0x51: {  	v38 =	vor.u32 $0x12, v1;
	v2 =	vadd.f32 v3, v2;
	v3 =	vmul.f32 v6, v6  }
0x52: {  	v6 =	vld.idx.msk [tilespmem:v37+s15+$0x0], $0xffff  }
0x53: {  	v39 =	vor.u32 $0x13, v1;
	v2 =	vadd.f32 v3, v2;
	v3 =	vmul.f32 v5, v5  }
0x54: {  	v5 =	vld.idx.msk [tilespmem:v7+s15+$0x0], $0xffff  }
0x55: {  	v7 =	vor.u32 $0x14, v1;
	v2 =	vadd.f32 v3, v2;
	v3 =	vmul.f32 v4, v4  }
0x56: {  	v4 =	vld.idx.msk [tilespmem:v38+s15+$0x0], $0xffff  }
0x57: {  	v40 =	vor.u32 $0x15, v1;
	v2 =	vadd.f32 v3, v2;
	v3 =	vmul.f32 v6, v6  }
0x58: {  	v6 =	vld.idx.msk [tilespmem:v39+s15+$0x0], $0xffff  }
0x59: {  	v41 =	vor.u32 $0x16, v1;
	v2 =	vadd.f32 v3, v2;
	v3 =	vmul.f32 v5, v5  }
0x5a: {  	v5 =	vld.idx.msk [tilespmem:v7+s15+$0x0], $0xffff  }
0x5b: {  	v7 =	vor.u32 $0x17, v1;
	v2 =	vadd.f32 v3, v2;
	v3 =	vmul.f32 v4, v4  }
0x5c: {  	v4 =	vld.idx.msk [tilespmem:v40+s15+$0x0], $0xffff  }
0x5d: {  	v42 =	vor.u32 $0x18, v1;
	v2 =	vadd.f32 v3, v2;
	v3 =	vmul.f32 v6, v6  }
0x5e: {  	v6 =	vld.idx.msk [tilespmem:v41+s15+$0x0], $0xffff  }
0x5f: {  	v43 =	vor.u32 $0x19, v1;
	v2 =	vadd.f32 v3, v2;
	v3 =	vmul.f32 v5, v5  }
0x60: {  	v5 =	vld.idx.msk [tilespmem:v7+s15+$0x0], $0xffff  }
0x61: {  	v7 =	vor.u32 $0x1A, v1;
	v2 =	vadd.f32 v3, v2;
	v3 =	vmul.f32 v4, v4  }
0x62: {  	v4 =	vld.idx.msk [tilespmem:v42+s15+$0x0], $0xffff  }
0x63: {  	v44 =	vor.u32 $0x1B, v1;
	v2 =	vadd.f32 v3, v2;
	v3 =	vmul.f32 v6, v6  }
0x64: {  	v6 =	vld.idx.msk [tilespmem:v43+s15+$0x0], $0xffff  }
0x65: {  	v45 =	vor.u32 $0x1C, v1;
	v2 =	vadd.f32 v3, v2;
	v3 =	vmul.f32 v5, v5  }
0x66: {  	v5 =	vld.idx.msk [tilespmem:v7+s15+$0x0], $0xffff  }
0x67: {  	v7 =	vor.u32 $0x1D, v1;
	v2 =	vadd.f32 v3, v2;
	v3 =	vmul.f32 v4, v4  }
0x68: {  	v4 =	vld.idx.msk [tilespmem:v44+s15+$0x0], $0xffff  }
0x69: {  	v46 =	vor.u32 $0x1E, v1;
	v2 =	vadd.f32 v3, v2;
	v3 =	vmul.f32 v6, v6  }
0x6a: {  	v6 =	vld.idx.msk [tilespmem:v45+s15+$0x0], $0xffff  }
0x6b: {  	v1 =	vor.u32 $0x1F, v1;
	v2 =	vadd.f32 v3, v2;
	v3 =	vmul.f32 v5, v5  }
0x6c: {  	v5 =	vld.idx.msk [tilespmem:v7+s15+$0x0], $0xffff  }
0x6d: {  	v2 =	vadd.f32 v3, v2;
	v3 =	vmul.f32 v4, v4  }
0x6e: {  	v4 =	vld.idx.msk [tilespmem:v46+s15+$0x0], $0xffff  }
0x6f: {  	v2 =	vadd.f32 v3, v2;
	v3 =	vmul.f32 v6, v6  }
0x70: {  	v1 =	vld.idx.msk [tilespmem:v1+s15+$0x0], $0xffff  }
0x71: {  	v2 =	vadd.f32 v3, v2;
	v3 =	vmul.f32 v5, v5;
	_ =	sdelay $0x1  }
0x72: {  	v2 =	vadd.f32 v3, v2;
	v3 =	vmul.f32 v4, v4;
	_ =	sdelay $0x1  }
0x73: {  	v1 =	vmul.f32 v1, v1;
	v2 =	vadd.f32 v3, v2;
	_ =	sdelay $0x1  }
0x74: {  	v1 =	vadd.f32 v1, v2;
	_ =	sdelay $0x1  }
0x75: {  	v2 =	vshra.s32 v1, $0x1;
	v3 =	vmul.f32 $5.000000000e-01, v1  }
0x76: {  	v2 =	vsub.s32 $0x5F3759DF, v2  }
0x77: {  	v4 =	vmul.f32 v2, v3;
	_ =	sdelay $0x1  }
0x78: {  	v4 =	vmul.f32 v2, v4;
	_ =	sdelay $0x1  }
0x79: {  	v4 =	vsub.f32 $1.500000000e+00, v4;
	_ =	sdelay $0x1  }
0x7a: {  	v2 =	vmul.f32 v2, v4;
	_ =	sdelay $0x1  }
0x7b: {  	v4 =	vmul.f32 v2, v3;
	_ =	sdelay $0x1  }
0x7c: {  	v4 =	vmul.f32 v4, v2;
	_ =	sdelay $0x1  }
0x7d: {  	v4 =	vsub.f32 $1.500000000e+00, v4;
	_ =	sdelay $0x1  }
0x7e: {  	v2 =	vmul.f32 v4, v2;
	_ =	sdelay $0x1  }
0x7f: {  	v4 =	vmul.f32 v2, v3;
	_ =	sdelay $0x1  }
0x80: {  	v4 =	vmul.f32 v4, v2;
	_ =	sdelay $0x1  }
0x81: {  	v4 =	vsub.f32 $1.500000000e+00, v4;
	_ =	sdelay $0x1  }
0x82: {  	v2 =	vmul.f32 v4, v2;
	_ =	sdelay $0x1  }
0x83: {  	v3 =	vmul.f32 v2, v3;
	_ =	sdelay $0x1  }
0x84: {  	v3 =	vmul.f32 v3, v2  }
0x85: {  	s22 =	simm.s32 $0x10  }
0x86: {  	v4 =	vmov s22;
	v3 =	vsub.f32 $1.500000000e+00, v3  }
0x87: {  	v4 =	vshll.u32 v4, $0x5  }
0x88: {  	v4 =	vor.u32 v0, v4;
	v2 =	vmul.f32 v3, v2  }
0x89: {  	v3 =	vor.u32 $0x1, v4  }
0x8a: {  	v2 =	vmul.f32 v2, v1  }
0x8b: {  	vm0 =	vgt.f32 v1, $0.0e+00  }
0x8c: {  	v1 =	vor.u32 $0x2, v4;
	v2 =	vnsel vm0, $0x0, v2  }
0x8d: {  	[tilespmem:s20+$0x0] =	vst v2  }
0x8e: {  	v2 =	vld.idx.msk [tilespmem:v3+s15+$0x0], $0xffff;
	v3 =	vor.u32 $0x3, v4  }
0x8f: {  	v5 =	vld.idx.msk [tilespmem:v4+s15+$0x0], $0xffff  }
0x90: {  	v6 =	vor.u32 $0x4, v4  }
0x91: {  	v1 =	vld.idx.msk [tilespmem:v1+s15+$0x0], $0xffff  }
0x92: {  	v7 =	vor.u32 $0x5, v4  }
0x93: {  	v3 =	vld.idx.msk [tilespmem:v3+s15+$0x0], $0xffff  }
0x94: {  	v47 =	vor.u32 $0x6, v4;
	v5 =	vmul.f32 v5, v5;
	v2 =	vmul.f32 v2, v2  }
0x95: {  	v6 =	vld.idx.msk [tilespmem:v6+s15+$0x0], $0xffff  }
0x96: {  	v48 =	vor.u32 $0x7, v4;
	v1 =	vmul.f32 v1, v1;
	v2 =	vadd.f32 v2, v5  }
0x97: {  	v5 =	vld.idx.msk [tilespmem:v7+s15+$0x0], $0xffff  }
0x98: {  	v7 =	vor.u32 $0x8, v4;
	v1 =	vadd.f32 v1, v2;
	v2 =	vmul.f32 v3, v3  }
0x99: {  	v3 =	vld.idx.msk [tilespmem:v47+s15+$0x0], $0xffff  }
0x9a: {  	v49 =	vor.u32 $0x9, v4;
	v1 =	vadd.f32 v2, v1;
	v2 =	vmul.f32 v6, v6  }
0x9b: {  	v6 =	vld.idx.msk [tilespmem:v48+s15+$0x0], $0xffff  }
0x9c: {  	v50 =	vor.u32 $0xA, v4;
	v1 =	vadd.f32 v2, v1;
	v2 =	vmul.f32 v5, v5  }
0x9d: {  	v5 =	vld.idx.msk [tilespmem:v7+s15+$0x0], $0xffff  }
0x9e: {  	v7 =	vor.u32 $0xB, v4;
	v1 =	vadd.f32 v2, v1;
	v2 =	vmul.f32 v3, v3  }
0x9f: {  	v3 =	vld.idx.msk [tilespmem:v49+s15+$0x0], $0xffff  }
0xa0: {  	v51 =	vor.u32 $0xC, v4;
	v1 =	vadd.f32 v2, v1;
	v2 =	vmul.f32 v6, v6  }
0xa1: {  	v6 =	vld.idx.msk [tilespmem:v50+s15+$0x0], $0xffff  }
0xa2: {  	v52 =	vor.u32 $0xD, v4;
	v1 =	vadd.f32 v2, v1;
	v2 =	vmul.f32 v5, v5  }
0xa3: {  	v5 =	vld.idx.msk [tilespmem:v7+s15+$0x0], $0xffff  }
0xa4: {  	v7 =	vor.u32 $0xE, v4;
	v1 =	vadd.f32 v2, v1;
	v2 =	vmul.f32 v3, v3  }
0xa5: {  	v3 =	vld.idx.msk [tilespmem:v51+s15+$0x0], $0xffff  }
0xa6: {  	v53 =	vor.u32 $0xF, v4;
	v1 =	vadd.f32 v2, v1;
	v2 =	vmul.f32 v6, v6  }
0xa7: {  	v6 =	vld.idx.msk [tilespmem:v52+s15+$0x0], $0xffff  }
0xa8: {  	v54 =	vor.u32 $0x10, v4;
	v1 =	vadd.f32 v2, v1;
	v2 =	vmul.f32 v5, v5  }
0xa9: {  	v5 =	vld.idx.msk [tilespmem:v7+s15+$0x0], $0xffff  }
0xaa: {  	v7 =	vor.u32 $0x11, v4;
	v1 =	vadd.f32 v2, v1;
	v2 =	vmul.f32 v3, v3  }
0xab: {  	v3 =	vld.idx.msk [tilespmem:v53+s15+$0x0], $0xffff  }
0xac: {  	v55 =	vor.u32 $0x12, v4;
	v1 =	vadd.f32 v2, v1;
	v2 =	vmul.f32 v6, v6  }
0xad: {  	v6 =	vld.idx.msk [tilespmem:v54+s15+$0x0], $0xffff  }
0xae: {  	v56 =	vor.u32 $0x13, v4;
	v1 =	vadd.f32 v2, v1;
	v2 =	vmul.f32 v5, v5  }
0xaf: {  	v5 =	vld.idx.msk [tilespmem:v7+s15+$0x0], $0xffff  }
0xb0: {  	v7 =	vor.u32 $0x14, v4;
	v1 =	vadd.f32 v2, v1;
	v2 =	vmul.f32 v3, v3  }
0xb1: {  	v3 =	vld.idx.msk [tilespmem:v55+s15+$0x0], $0xffff  }
0xb2: {  	v57 =	vor.u32 $0x15, v4;
	v1 =	vadd.f32 v2, v1;
	v2 =	vmul.f32 v6, v6  }
0xb3: {  	v6 =	vld.idx.msk [tilespmem:v56+s15+$0x0], $0xffff  }
0xb4: {  	v58 =	vor.u32 $0x16, v4;
	v1 =	vadd.f32 v2, v1;
	v2 =	vmul.f32 v5, v5  }
0xb5: {  	v5 =	vld.idx.msk [tilespmem:v7+s15+$0x0], $0xffff  }
0xb6: {  	v7 =	vor.u32 $0x17, v4;
	v1 =	vadd.f32 v2, v1;
	v2 =	vmul.f32 v3, v3  }
0xb7: {  	v3 =	vld.idx.msk [tilespmem:v57+s15+$0x0], $0xffff  }
0xb8: {  	v59 =	vor.u32 $0x18, v4;
	v1 =	vadd.f32 v2, v1;
	v2 =	vmul.f32 v6, v6  }
0xb9: {  	v6 =	vld.idx.msk [tilespmem:v58+s15+$0x0], $0xffff  }
0xba: {  	v60 =	vor.u32 $0x19, v4;
	v1 =	vadd.f32 v2, v1;
	v2 =	vmul.f32 v5, v5  }
0xbb: {  	v5 =	vld.idx.msk [tilespmem:v7+s15+$0x0], $0xffff  }
0xbc: {  	v7 =	vor.u32 $0x1A, v4;
	v1 =	vadd.f32 v2, v1;
	v2 =	vmul.f32 v3, v3  }
0xbd: {  	v3 =	vld.idx.msk [tilespmem:v59+s15+$0x0], $0xffff  }
0xbe: {  	v61 =	vor.u32 $0x1B, v4;
	v1 =	vadd.f32 v2, v1;
	v2 =	vmul.f32 v6, v6  }
0xbf: {  	v6 =	vld.idx.msk [tilespmem:v60+s15+$0x0], $0xffff  }
0xc0: {  	v62 =	vor.u32 $0x1C, v4;
	v1 =	vadd.f32 v2, v1;
	v2 =	vmul.f32 v5, v5  }
0xc1: {  	v5 =	vld.idx.msk [tilespmem:v7+s15+$0x0], $0xffff  }
0xc2: {  	v7 =	vor.u32 $0x1D, v4;
	v1 =	vadd.f32 v2, v1;
	v2 =	vmul.f32 v3, v3  }
0xc3: {  	v3 =	vld.idx.msk [tilespmem:v61+s15+$0x0], $0xffff  }
0xc4: {  	v63 =	vor.u32 $0x1E, v4;
	v1 =	vadd.f32 v2, v1;
	v2 =	vmul.f32 v6, v6  }
0xc5: {  	v6 =	vld.idx.msk [tilespmem:v62+s15+$0x0], $0xffff  }
0xc6: {  	v4 =	vor.u32 $0x1F, v4;
	v1 =	vadd.f32 v2, v1;
	v2 =	vmul.f32 v5, v5  }
0xc7: {  	v5 =	vld.idx.msk [tilespmem:v7+s15+$0x0], $0xffff  }
0xc8: {  	v1 =	vadd.f32 v2, v1;
	v2 =	vmul.f32 v3, v3  }
0xc9: {  	v3 =	vld.idx.msk [tilespmem:v63+s15+$0x0], $0xffff  }
0xca: {  	v1 =	vadd.f32 v2, v1;
	v2 =	vmul.f32 v6, v6  }
0xcb: {  	v4 =	vld.idx.msk [tilespmem:v4+s15+$0x0], $0xffff  }
0xcc: {  	v1 =	vadd.f32 v2, v1;
	v2 =	vmul.f32 v5, v5;
	_ =	sdelay $0x1  }
0xcd: {  	v1 =	vadd.f32 v2, v1;
	v2 =	vmul.f32 v3, v3;
	_ =	sdelay $0x1  }
0xce: {  	v1 =	vadd.f32 v2, v1;
	v2 =	vmul.f32 v4, v4;
	_ =	sdelay $0x1  }
0xcf: {  	v2 =	vadd.f32 v2, v1;
	_ =	sdelay $0x1  }
0xd0: {  	v1 =	vshra.s32 v2, $0x1;
	v4 =	vmul.f32 $5.000000000e-01, v2  }
0xd1: {  	v1 =	vsub.s32 $0x5F3759DF, v1  }
0xd2: {  	v3 =	vmul.f32 v1, v4;
	_ =	sdelay $0x1  }
0xd3: {  	v3 =	vmul.f32 v1, v3;
	_ =	sdelay $0x1  }
0xd4: {  	v3 =	vsub.f32 $1.500000000e+00, v3;
	_ =	sdelay $0x1  }
0xd5: {  	v1 =	vmul.f32 v1, v3;
	_ =	sdelay $0x1  }
0xd6: {  	v3 =	vmul.f32 v1, v4;
	_ =	sdelay $0x1  }
0xd7: {  	v3 =	vmul.f32 v3, v1;
	_ =	sdelay $0x1  }
0xd8: {  	v3 =	vsub.f32 $1.500000000e+00, v3;
	_ =	sdelay $0x1  }
0xd9: {  	v1 =	vmul.f32 v3, v1;
	_ =	sdelay $0x1  }
0xda: {  	v3 =	vmul.f32 v1, v4;
	_ =	sdelay $0x1  }
0xdb: {  	v3 =	vmul.f32 v3, v1;
	_ =	sdelay $0x1  }
0xdc: {  	v3 =	vsub.f32 $1.500000000e+00, v3;
	_ =	sdelay $0x1  }
0xdd: {  	v3 =	vmul.f32 v3, v1;
	_ =	sdelay $0x1  }
0xde: {  	v1 =	vmul.f32 v3, v4;
	_ =	sdelay $0x1  }
0xdf: {  	v1 =	vmul.f32 v1, v3  }
0xe0: {  	s31 =	simm.s32 $0x20  }
0xe1: {  	v5 =	vmov s31;
	v4 =	vsub.f32 $1.500000000e+00, v1  }
0xe2: {  	s23 =	simm.s32 $0x30;
	s22 =	simm.s32 $0x4200;
	v1 =	vshll.u32 v5, $0x5  }
.LBB2_2:
0xe3: {  	p0 =	sne.s32 s23, $0x1F0;
	v1 =	vor.u32 v0, v1;
	v3 =	vmul.f32 v4, v3  }
0xe4: {  	v4 =	vor.u32 $0x1, v1  }
0xe5: {  	v3 =	vmul.f32 v3, v2  }
0xe6: {  	vm0 =	vgt.f32 v2, $0.0e+00  }
0xe7: {  	s22 =	sadd.s32 $0x10, s22;
	v2 =	vor.u32 $0x2, v1;
	v3 =	vnsel vm0, $0x0, v3  }
0xe8: {  	[tilespmem:s22+$0x0] =	vst v3  }
0xe9: {  	v3 =	vld.idx.msk [tilespmem:v4+s15+$0x0], $0xffff;
	v4 =	vor.u32 $0x3, v1  }
0xea: {  	v5 =	vld.idx.msk [tilespmem:v1+s15+$0x0], $0xffff  }
0xeb: {  	v6 =	vor.u32 $0x4, v1  }
0xec: {  	v2 =	vld.idx.msk [tilespmem:v2+s15+$0x0], $0xffff  }
0xed: {  	v7 =	vor.u32 $0x5, v1  }
0xee: {  	v4 =	vld.idx.msk [tilespmem:v4+s15+$0x0], $0xffff  }
0xef: {  	v8 =	vor.u32 $0x6, v1  }
0xf0: {  	v3 =	vmul.f32 v3, v3;
	v5 =	vmul.f32 v5, v5;
	v6 =	vld.idx.msk [tilespmem:v6+s15+$0x0], $0xffff  }
0xf1: {  	v9 =	vor.u32 $0x7, v1  }
0xf2: {  	v3 =	vadd.f32 v3, v5;
	v2 =	vmul.f32 v2, v2;
	v5 =	vld.idx.msk [tilespmem:v7+s15+$0x0], $0xffff  }
0xf3: {  	v7 =	vor.u32 $0x8, v1  }
0xf4: {  	v2 =	vadd.f32 v2, v3;
	v3 =	vmul.f32 v4, v4;
	v4 =	vld.idx.msk [tilespmem:v8+s15+$0x0], $0xffff  }
0xf5: {  	v8 =	vor.u32 $0x9, v1  }
0xf6: {  	v2 =	vadd.f32 v3, v2;
	v3 =	vmul.f32 v6, v6;
	v6 =	vld.idx.msk [tilespmem:v9+s15+$0x0], $0xffff  }
0xf7: {  	v9 =	vor.u32 $0xA, v1  }
0xf8: {  	v2 =	vadd.f32 v3, v2;
	v3 =	vmul.f32 v5, v5;
	v5 =	vld.idx.msk [tilespmem:v7+s15+$0x0], $0xffff  }
0xf9: {  	v7 =	vor.u32 $0xB, v1  }
0xfa: {  	v2 =	vadd.f32 v3, v2;
	v3 =	vmul.f32 v4, v4;
	v4 =	vld.idx.msk [tilespmem:v8+s15+$0x0], $0xffff  }
0xfb: {  	v8 =	vor.u32 $0xC, v1  }
0xfc: {  	v2 =	vadd.f32 v3, v2;
	v3 =	vmul.f32 v6, v6;
	v6 =	vld.idx.msk [tilespmem:v9+s15+$0x0], $0xffff  }
0xfd: {  	v9 =	vor.u32 $0xD, v1  }
0xfe: {  	v2 =	vadd.f32 v3, v2;
	v3 =	vmul.f32 v5, v5;
	v5 =	vld.idx.msk [tilespmem:v7+s15+$0x0], $0xffff  }
0xff: {  	v7 =	vor.u32 $0xE, v1  }
0x100: {  	v2 =	vadd.f32 v3, v2;
	v3 =	vmul.f32 v4, v4;
	v4 =	vld.idx.msk [tilespmem:v8+s15+$0x0], $0xffff  }
0x101: {  	v8 =	vor.u32 $0xF, v1  }
0x102: {  	v2 =	vadd.f32 v3, v2;
	v3 =	vmul.f32 v6, v6;
	v6 =	vld.idx.msk [tilespmem:v9+s15+$0x0], $0xffff  }
0x103: {  	v9 =	vor.u32 $0x10, v1  }
0x104: {  	v2 =	vadd.f32 v3, v2;
	v3 =	vmul.f32 v5, v5;
	v5 =	vld.idx.msk [tilespmem:v7+s15+$0x0], $0xffff  }
0x105: {  	v7 =	vor.u32 $0x11, v1  }
0x106: {  	v2 =	vadd.f32 v3, v2;
	v3 =	vmul.f32 v4, v4;
	v4 =	vld.idx.msk [tilespmem:v8+s15+$0x0], $0xffff  }
0x107: {  	v8 =	vor.u32 $0x12, v1  }
0x108: {  	v2 =	vadd.f32 v3, v2;
	v3 =	vmul.f32 v6, v6;
	v6 =	vld.idx.msk [tilespmem:v9+s15+$0x0], $0xffff  }
0x109: {  	v9 =	vor.u32 $0x13, v1  }
0x10a: {  	v2 =	vadd.f32 v3, v2;
	v3 =	vmul.f32 v5, v5;
	v5 =	vld.idx.msk [tilespmem:v7+s15+$0x0], $0xffff  }
0x10b: {  	v7 =	vor.u32 $0x14, v1  }
0x10c: {  	v2 =	vadd.f32 v3, v2;
	v3 =	vmul.f32 v4, v4;
	v4 =	vld.idx.msk [tilespmem:v8+s15+$0x0], $0xffff  }
0x10d: {  	v8 =	vor.u32 $0x15, v1  }
0x10e: {  	v2 =	vadd.f32 v3, v2;
	v3 =	vmul.f32 v6, v6;
	v6 =	vld.idx.msk [tilespmem:v9+s15+$0x0], $0xffff  }
0x10f: {  	v9 =	vor.u32 $0x16, v1  }
0x110: {  	v2 =	vadd.f32 v3, v2;
	v3 =	vmul.f32 v5, v5;
	v5 =	vld.idx.msk [tilespmem:v7+s15+$0x0], $0xffff  }
0x111: {  	v7 =	vor.u32 $0x17, v1  }
0x112: {  	v2 =	vadd.f32 v3, v2;
	v3 =	vmul.f32 v4, v4;
	v4 =	vld.idx.msk [tilespmem:v8+s15+$0x0], $0xffff  }
0x113: {  	v8 =	vor.u32 $0x18, v1  }
0x114: {  	v2 =	vadd.f32 v3, v2;
	v3 =	vmul.f32 v6, v6;
	v6 =	vld.idx.msk [tilespmem:v9+s15+$0x0], $0xffff  }
0x115: {  	v9 =	vor.u32 $0x19, v1  }
0x116: {  	v2 =	vadd.f32 v3, v2;
	v3 =	vmul.f32 v5, v5;
	v5 =	vld.idx.msk [tilespmem:v7+s15+$0x0], $0xffff  }
0x117: {  	v7 =	vor.u32 $0x1A, v1  }
0x118: {  	v2 =	vadd.f32 v3, v2;
	v3 =	vmul.f32 v4, v4;
	v4 =	vld.idx.msk [tilespmem:v8+s15+$0x0], $0xffff  }
0x119: {  	v8 =	vor.u32 $0x1B, v1  }
0x11a: {  	v2 =	vadd.f32 v3, v2;
	v3 =	vmul.f32 v6, v6;
	v6 =	vld.idx.msk [tilespmem:v9+s15+$0x0], $0xffff  }
0x11b: {  	v9 =	vor.u32 $0x1C, v1  }
0x11c: {  	v2 =	vadd.f32 v3, v2;
	v3 =	vmul.f32 v5, v5;
	v5 =	vld.idx.msk [tilespmem:v7+s15+$0x0], $0xffff  }
0x11d: {  	v7 =	vor.u32 $0x1D, v1  }
0x11e: {  	v2 =	vadd.f32 v3, v2;
	v3 =	vmul.f32 v4, v4;
	v4 =	vld.idx.msk [tilespmem:v8+s15+$0x0], $0xffff  }
0x11f: {  	v8 =	vor.u32 $0x1E, v1  }
0x120: {  	v2 =	vadd.f32 v3, v2;
	v3 =	vmul.f32 v6, v6;
	v6 =	vld.idx.msk [tilespmem:v9+s15+$0x0], $0xffff  }
0x121: {  	v1 =	vor.u32 $0x1F, v1  }
0x122: {  	v2 =	vadd.f32 v3, v2;
	v3 =	vmul.f32 v5, v5;
	v5 =	vld.idx.msk [tilespmem:v7+s15+$0x0], $0xffff;
	_ =	sdelay $0x1  }
0x123: {  	v2 =	vadd.f32 v3, v2;
	v3 =	vmul.f32 v4, v4;
	v4 =	vld.idx.msk [tilespmem:v8+s15+$0x0], $0xffff;
	_ =	sdelay $0x1  }
0x124: {  	v2 =	vadd.f32 v3, v2;
	v3 =	vmul.f32 v6, v6;
	v1 =	vld.idx.msk [tilespmem:v1+s15+$0x0], $0xffff;
	_ =	sdelay $0x1  }
0x125: {  	v2 =	vadd.f32 v3, v2;
	v3 =	vmul.f32 v5, v5;
	_ =	sdelay $0x1  }
0x126: {  	v2 =	vadd.f32 v3, v2;
	v3 =	vmul.f32 v4, v4;
	_ =	sdelay $0x1  }
0x127: {  	v2 =	vadd.f32 v3, v2;
	v1 =	vmul.f32 v1, v1;
	_ =	sdelay $0x1  }
0x128: {  	v2 =	vadd.f32 v1, v2;
	_ =	sdelay $0x1  }
0x129: {  	v1 =	vshra.s32 v2, $0x1;
	v4 =	vmul.f32 $5.000000000e-01, v2  }
0x12a: {  	v1 =	vsub.s32 $0x5F3759DF, v1  }
0x12b: {  	v3 =	vmul.f32 v1, v4;
	_ =	sdelay $0x1  }
0x12c: {  	v3 =	vmul.f32 v1, v3;
	_ =	sdelay $0x1  }
0x12d: {  	v3 =	vsub.f32 $1.500000000e+00, v3;
	_ =	sdelay $0x1  }
0x12e: {  	v1 =	vmul.f32 v1, v3;
	_ =	sdelay $0x1  }
0x12f: {  	v3 =	vmul.f32 v1, v4;
	_ =	sdelay $0x1  }
0x130: {  	v3 =	vmul.f32 v3, v1;
	_ =	sdelay $0x1  }
0x131: {  	v3 =	vsub.f32 $1.500000000e+00, v3;
	_ =	sdelay $0x1  }
0x132: {  	v1 =	vmul.f32 v3, v1;
	_ =	sdelay $0x1  }
0x133: {  	v3 =	vmul.f32 v1, v4;
	_ =	sdelay $0x1  }
0x134: {  	v3 =	vmul.f32 v3, v1;
	_ =	sdelay $0x1  }
0x135: {  	v3 =	vsub.f32 $1.500000000e+00, v3;
	_ =	sdelay $0x1  }
0x136: {  	v3 =	vmul.f32 v3, v1;
	_ =	sdelay $0x1  }
0x137: {  	v1 =	vmul.f32 v3, v4  }
.Ltmp0:
0x138: {  	(pc) =	sbr.rel @p0 .LBB2_2-.Ltmp0, $3  }
0x139: {  	v1 =	vmul.f32 v1, v3;
	_ =	sdelay $0x1  }
0x13a: {  	v5 =	vmov s23;
	v4 =	vsub.f32 $1.500000000e+00, v1  }
0x13b: {  	s23 =	sadd.s32 $0x10, s23;
	v1 =	vshll.u32 v5, $0x5  }
0x13c: {  	v1 =	vor.u32 v0, v1;
	v3 =	vmul.f32 v4, v3  }
0x13d: {  	v12 =	vor.u32 $0x1, v1  }
0x13e: {  	v3 =	vmul.f32 v3, v2  }
0x13f: {  	vm0 =	vgt.f32 v2, $0.0e+00  }
0x140: {  	s22 =	sadd.s32 $0x10, s22;
	v2 =	vor.u32 $0x2, v1;
	v3 =	vnsel vm0, $0x0, v3  }
0x141: {  	[tilespmem:s22+$0x0] =	vst v3  }
0x142: {  	v13 =	vor.u32 $0x3, v1;
	v3 =	vld.idx.msk [tilespmem:v12+s15+$0x0], $0xffff  }
0x143: {  	v5 =	vld.idx.msk [tilespmem:v1+s15+$0x0], $0xffff  }
0x144: {  	v6 =	vor.u32 $0x4, v1  }
0x145: {  	v2 =	vld.idx.msk [tilespmem:v2+s15+$0x0], $0xffff  }
0x146: {  	v7 =	vor.u32 $0x5, v1  }
0x147: {  	v4 =	vld.idx.msk [tilespmem:v13+s15+$0x0], $0xffff  }
0x148: {  	v8 =	vor.u32 $0x6, v1;
	v5 =	vmul.f32 v5, v5;
	v3 =	vmul.f32 v3, v3  }
0x149: {  	v6 =	vld.idx.msk [tilespmem:v6+s15+$0x0], $0xffff  }
0x14a: {  	v9 =	vor.u32 $0x7, v1;
	v2 =	vmul.f32 v2, v2;
	v3 =	vadd.f32 v3, v5  }
0x14b: {  	v14 =	vld.idx.msk [tilespmem:v7+s15+$0x0], $0xffff  }
0x14c: {  	v15 =	vor.u32 $0x8, v1;
	v2 =	vadd.f32 v2, v3;
	v3 =	vmul.f32 v4, v4  }
0x14d: {  	v16 =	vld.idx.msk [tilespmem:v8+s15+$0x0], $0xffff  }
0x14e: {  	v17 =	vor.u32 $0x9, v1;
	v2 =	vadd.f32 v3, v2;
	v3 =	vmul.f32 v6, v6  }
0x14f: {  	v18 =	vld.idx.msk [tilespmem:v9+s15+$0x0], $0xffff  }
0x150: {  	v19 =	vor.u32 $0xA, v1;
	v2 =	vadd.f32 v3, v2;
	v3 =	vmul.f32 v14, v14  }
0x151: {  	v20 =	vld.idx.msk [tilespmem:v15+s15+$0x0], $0xffff  }
0x152: {  	v21 =	vor.u32 $0xB, v1;
	v2 =	vadd.f32 v3, v2;
	v3 =	vmul.f32 v16, v16  }
0x153: {  	v22 =	vld.idx.msk [tilespmem:v17+s15+$0x0], $0xffff  }
0x154: {  	v23 =	vor.u32 $0xC, v1;
	v2 =	vadd.f32 v3, v2;
	v3 =	vmul.f32 v18, v18  }
0x155: {  	v24 =	vld.idx.msk [tilespmem:v19+s15+$0x0], $0xffff  }
0x156: {  	v25 =	vor.u32 $0xD, v1;
	v2 =	vadd.f32 v3, v2;
	v3 =	vmul.f32 v20, v20  }
0x157: {  	v26 =	vld.idx.msk [tilespmem:v21+s15+$0x0], $0xffff  }
0x158: {  	v27 =	vor.u32 $0xE, v1;
	v2 =	vadd.f32 v3, v2;
	v3 =	vmul.f32 v22, v22  }
0x159: {  	v28 =	vld.idx.msk [tilespmem:v23+s15+$0x0], $0xffff  }
0x15a: {  	v29 =	vor.u32 $0xF, v1;
	v2 =	vadd.f32 v3, v2;
	v3 =	vmul.f32 v24, v24  }
0x15b: {  	v30 =	vld.idx.msk [tilespmem:v25+s15+$0x0], $0xffff  }
0x15c: {  	v31 =	vor.u32 $0x10, v1;
	v2 =	vadd.f32 v3, v2;
	v3 =	vmul.f32 v26, v26  }
0x15d: {  	v32 =	vld.idx.msk [tilespmem:v27+s15+$0x0], $0xffff  }
0x15e: {  	v33 =	vor.u32 $0x11, v1;
	v2 =	vadd.f32 v3, v2;
	v3 =	vmul.f32 v28, v28  }
0x15f: {  	v34 =	vld.idx.msk [tilespmem:v29+s15+$0x0], $0xffff  }
0x160: {  	v35 =	vor.u32 $0x12, v1;
	v2 =	vadd.f32 v3, v2;
	v3 =	vmul.f32 v30, v30  }
0x161: {  	v36 =	vld.idx.msk [tilespmem:v31+s15+$0x0], $0xffff  }
0x162: {  	v37 =	vor.u32 $0x13, v1;
	v2 =	vadd.f32 v3, v2;
	v3 =	vmul.f32 v32, v32  }
0x163: {  	v38 =	vld.idx.msk [tilespmem:v33+s15+$0x0], $0xffff  }
0x164: {  	v39 =	vor.u32 $0x14, v1;
	v2 =	vadd.f32 v3, v2;
	v3 =	vmul.f32 v34, v34  }
0x165: {  	v40 =	vld.idx.msk [tilespmem:v35+s15+$0x0], $0xffff  }
0x166: {  	v41 =	vor.u32 $0x15, v1;
	v2 =	vadd.f32 v3, v2;
	v3 =	vmul.f32 v36, v36  }
0x167: {  	v42 =	vld.idx.msk [tilespmem:v37+s15+$0x0], $0xffff  }
0x168: {  	v43 =	vor.u32 $0x16, v1;
	v2 =	vadd.f32 v3, v2;
	v3 =	vmul.f32 v38, v38  }
0x169: {  	v44 =	vld.idx.msk [tilespmem:v39+s15+$0x0], $0xffff  }
0x16a: {  	v45 =	vor.u32 $0x17, v1;
	v2 =	vadd.f32 v3, v2;
	v3 =	vmul.f32 v40, v40  }
0x16b: {  	v46 =	vld.idx.msk [tilespmem:v41+s15+$0x0], $0xffff  }
0x16c: {  	v47 =	vor.u32 $0x18, v1;
	v2 =	vadd.f32 v3, v2;
	v3 =	vmul.f32 v42, v42  }
0x16d: {  	v48 =	vld.idx.msk [tilespmem:v43+s15+$0x0], $0xffff  }
0x16e: {  	v49 =	vor.u32 $0x19, v1;
	v2 =	vadd.f32 v3, v2;
	v3 =	vmul.f32 v44, v44  }
0x16f: {  	v50 =	vld.idx.msk [tilespmem:v45+s15+$0x0], $0xffff  }
0x170: {  	v51 =	vor.u32 $0x1A, v1;
	v2 =	vadd.f32 v3, v2;
	v3 =	vmul.f32 v46, v46  }
0x171: {  	v52 =	vld.idx.msk [tilespmem:v47+s15+$0x0], $0xffff  }
0x172: {  	v53 =	vor.u32 $0x1B, v1;
	v2 =	vadd.f32 v3, v2;
	v3 =	vmul.f32 v48, v48  }
0x173: {  	v54 =	vld.idx.msk [tilespmem:v49+s15+$0x0], $0xffff  }
0x174: {  	v55 =	vor.u32 $0x1C, v1;
	v2 =	vadd.f32 v3, v2;
	v3 =	vmul.f32 v50, v50  }
0x175: {  	v56 =	vld.idx.msk [tilespmem:v51+s15+$0x0], $0xffff  }
0x176: {  	v57 =	vor.u32 $0x1D, v1;
	v2 =	vadd.f32 v3, v2;
	v3 =	vmul.f32 v52, v52  }
0x177: {  	v58 =	vld.idx.msk [tilespmem:v53+s15+$0x0], $0xffff  }
0x178: {  	v59 =	vor.u32 $0x1E, v1;
	v2 =	vadd.f32 v3, v2;
	v3 =	vmul.f32 v54, v54  }
0x179: {  	v60 =	vld.idx.msk [tilespmem:v55+s15+$0x0], $0xffff  }
0x17a: {  	v1 =	vor.u32 $0x1F, v1;
	v2 =	vadd.f32 v3, v2;
	v3 =	vmul.f32 v56, v56  }
0x17b: {  	v61 =	vld.idx.msk [tilespmem:v57+s15+$0x0], $0xffff  }
0x17c: {  	v2 =	vadd.f32 v3, v2;
	v3 =	vmul.f32 v58, v58  }
0x17d: {  	v62 =	vld.idx.msk [tilespmem:v59+s15+$0x0], $0xffff  }
0x17e: {  	v2 =	vadd.f32 v3, v2;
	v3 =	vmul.f32 v60, v60  }
0x17f: {  	v1 =	vld.idx.msk [tilespmem:v1+s15+$0x0], $0xffff  }
0x180: {  	v2 =	vadd.f32 v3, v2;
	v3 =	vmul.f32 v61, v61;
	_ =	sdelay $0x1  }
0x181: {  	v2 =	vadd.f32 v3, v2;
	v3 =	vmul.f32 v62, v62;
	_ =	sdelay $0x1  }
0x182: {  	v1 =	vmul.f32 v1, v1;
	v2 =	vadd.f32 v3, v2;
	_ =	sdelay $0x1  }
0x183: {  	v1 =	vadd.f32 v1, v2;
	_ =	sdelay $0x1  }
0x184: {  	v2 =	vshra.s32 v1, $0x1;
	v3 =	vmul.f32 $5.000000000e-01, v1  }
0x185: {  	v2 =	vsub.s32 $0x5F3759DF, v2  }
0x186: {  	v63 =	vmul.f32 v2, v3;
	_ =	sdelay $0x1  }
0x187: {  	v4 =	vmul.f32 v2, v63;
	_ =	sdelay $0x1  }
0x188: {  	v4 =	vsub.f32 $1.500000000e+00, v4;
	_ =	sdelay $0x1  }
0x189: {  	v2 =	vmul.f32 v2, v4;
	_ =	sdelay $0x1  }
0x18a: {  	v4 =	vmul.f32 v2, v3;
	_ =	sdelay $0x1  }
0x18b: {  	v4 =	vmul.f32 v4, v2;
	_ =	sdelay $0x1  }
0x18c: {  	v4 =	vsub.f32 $1.500000000e+00, v4;
	_ =	sdelay $0x1  }
0x18d: {  	v2 =	vmul.f32 v4, v2;
	_ =	sdelay $0x1  }
0x18e: {  	v4 =	vmul.f32 v2, v3;
	_ =	sdelay $0x1  }
0x18f: {  	v4 =	vmul.f32 v4, v2;
	_ =	sdelay $0x1  }
0x190: {  	v4 =	vsub.f32 $1.500000000e+00, v4;
	_ =	sdelay $0x1  }
0x191: {  	v2 =	vmul.f32 v4, v2;
	_ =	sdelay $0x1  }
0x192: {  	v3 =	vmul.f32 v2, v3;
	_ =	sdelay $0x1  }
0x193: {  	v3 =	vmul.f32 v3, v2;
	_ =	sdelay $0x1  }
0x194: {  	v3 =	vsub.f32 $1.500000000e+00, v3;
	_ =	sdelay $0x1  }
0x195: {  	v2 =	vmul.f32 v3, v2;
	_ =	sdelay $0x1  }
0x196: {  	v2 =	vmul.f32 v2, v1  }
0x197: {  	vm15 =	vgt.f32 v1, $0.0e+00  }
0x198: {  	s22 =	sadd.s32 $0x10, s22;
	v1 =	vnsel vm15, $0x0, v2  }
0x199: {  	[tilespmem:s22+$0x0] =	vst v1  }
0x19a: {  	[hbm4b:s8+s2] =	stream.linear.scatter [tilespmem:s15], [sflag:$0x2], $0x4000, $0x38;
	[tilespmem:$0x4400] =	vst v63  }
0x19b: {  	s21 =	sadd.s32 $0x1, s21;
	_ =	swait.ge [sflag:s11], $0x4000  }
0x19c: {  	p0 =	sne.s32 s21, s10;
	[sflag:s11] =	ssyncset.done $0x0  }
.Ltmp1:
0x19d: {  	[sflag:s11] =	ssyncadd.s32 $0xFFFFC000;
	(pc) =	sbr.rel @p0 .LBB2_1-.Ltmp1, $4  }
0x19e: {  	[hbm4b:s9+s2] =	stream.linear.scatter [tilespmem:s20], [sflag:$0x2], $0x200, $0x38;
	[tilespmem:$0x4400] =	vst v63  }
0x19f: {  	_ =	swait.ge [sflag:s11], $0x200  }
0x1a0: {  	[sflag:s11] =	ssyncset.done $0x0  }
0x1a1: {  	[sflag:s11] =	ssyncadd.s32 $0xFFFFFE00  }
0x1a2: {  	_ =	sfence.sel $0x180000  }
0x1a3: {  	[bflag:$0x0] =	sbarrier.arrive $0xFFFF  }
0x1a4: {  	p0 =	sne.s32 s1, $0x0;
	_ =	strace $0x90000047  }
0x1a5: {  	s0 =	sadd.s32 @!p0 $0x100000, s0;
	[bflag:$0x2] =	sbarrier.arrive $0xFFFF  }
0x1a6: {  	[sflag:s0] =	ssyncadd.tile.s32 @!p0 $0x1;
	_ =	shalt  }
.Lfunc_end2:
_tile_overlayer_lowered:
.L_overlay_start_2:
0x1a7: {  	(tag) =	ssettag $0x2  }
0x1a8: {  	s0 =	rddreg [dreg:$0x0];
	s2 =	stileid.u32  }
0x1a9: {  	s1 =	rddreg [dreg:$0x1];
	p0 =	sne.s32 s2, $0x0  }
0x1aa: {  	s3 =	rddreg [dreg:$0x2];
	[bflag:$0x3] =	sbarrier.arrive $0xFFFF;
	s2 =	simm.s32 @!p0 $0x1C02  }
0x1ab: {  	[timem:s3], [sflag:s2] =	dma.local @!p0 [hbm:s0], s1  }
0x1ac: {  	s0 =	simm.s32 @!p0 $0x2  }
0x1ad: {  	_ =	swait.ge @!p0 [sflag:s0], s1  }
0x1ae: {  	s1 =	ssub.s32 @!p0 $0x0, s1;
	[sflag:s0] =	ssyncset.done @!p0 $0x0  }
0x1af: {  	[sflag:s0] =	ssyncadd.s32 @!p0 s1  }
0x1b0: {  	[bflag:$0x3] =	sbarrier.arrive $0xFFFF  }
0x1b1: {  	_ =	shalt  }

</sc_bundles>
